<compile_context>
chip_gen: v7x
topology: tpu7x:2x2x1
jax: 0.10.2.dev20260603
libtpu: 0.0.44.dev20260713+nightly
codegen_flags: <defaults>
</compile_context>

<pallas_src>
import jax
import jax.numpy as jnp
from jax import lax
from jax.experimental import pallas as pl
from jax.experimental.pallas import tpu as pltpu
from jax.experimental.pallas import tpu_sc as plsc

N_NODES = 10000
N_PAD = 10240
N_EDGES = 320000
IN_CH = 128
HID_CH = 128
OUT_CH = 64

NC = 2
NS = 16
NW = NC * NS
CHUNK = 128
TOT_CH = 2560
E_PAD = TOT_CH * CHUNK
NCH_AGG = TOT_CH // NW
NCH_DEG = TOT_CH // NW
ROWS_PER_TILE = N_PAD // NS
IBLK = 40

_MESH = plsc.VectorSubcoreMesh(core_axis_name="c", subcore_axis_name="s")



def _deg_body(dst_hbm, ones_hbm, zeros_hbm, out_hbm, idx_v, ones_v, zrow_v,
              deg_sh):
    c = lax.axis_index("c")
    s = lax.axis_index("s")
    wid = c * NS + s
    pltpu.sync_copy(ones_hbm, ones_v)
    pltpu.sync_copy(zeros_hbm, zrow_v)
    pltpu.sync_copy(zrow_v, deg_sh.at[pl.ds(s * ROWS_PER_TILE, ROWS_PER_TILE)])
    pltpu.sync_copy(dst_hbm.at[pl.ds(wid * NCH_DEG, NCH_DEG)], idx_v)
    plsc.subcore_barrier()

    def body(i, carry):
        pltpu.sync_copy(ones_v, deg_sh.at[idx_v.at[i]], add=True)
        return carry

    lax.fori_loop(0, NCH_DEG, body, 0)
    plsc.subcore_barrier()
    pltpu.sync_copy(deg_sh.at[pl.ds(s * ROWS_PER_TILE, ROWS_PER_TILE)], zrow_v)
    pltpu.sync_copy(zrow_v, out_hbm.at[c, pl.ds(s * ROWS_PER_TILE, ROWS_PER_TILE)])


def _deg_partials(dst_r, ones_c, zeros_r):
    return pl.kernel(
        _deg_body,
        out_type=jax.ShapeDtypeStruct((NC, N_PAD), jnp.float32),
        mesh=_MESH,
        scratch_types=[
            pltpu.VMEM((NCH_DEG, CHUNK), jnp.int32),
            pltpu.VMEM((CHUNK,), jnp.float32),
            pltpu.VMEM((ROWS_PER_TILE,), jnp.float32),
            pltpu.VMEM_SHARED((N_PAD,), jnp.float32),
        ],
    )(dst_r, ones_c, zeros_r)


def _agg_body(y_hbm, src_hbm, dst_hbm, zeros_hbm, out_hbm, srcv, dstv, rows,
              rows2, sem_a, sem_b, acc_sh):
    c = lax.axis_index("c")
    s = lax.axis_index("s")
    base = (c * NS + s) * NCH_AGG
    pltpu.sync_copy(zeros_hbm, rows)
    for j in range(5):
        pltpu.sync_copy(rows, acc_sh.at[pl.ds(s * ROWS_PER_TILE + j * 128, 128)])
    plsc.subcore_barrier()

    def blk_body(blk, carry):
        b0 = base + blk * IBLK
        pltpu.sync_copy(src_hbm.at[pl.ds(b0, IBLK)], srcv)
        pltpu.sync_copy(dst_hbm.at[pl.ds(b0, IBLK)], dstv)

        pltpu.async_copy(y_hbm.at[srcv.at[0]], rows, sem_a)

        def pair(ii, carry2):
            i0 = 2 * ii
            i_next = jnp.minimum(i0 + 2, IBLK - 1)
            pltpu.async_copy(y_hbm.at[srcv.at[i0 + 1]], rows2, sem_b)
            pltpu.make_async_copy(y_hbm.at[srcv.at[0]], rows, sem_a).wait()
            pltpu.sync_copy(rows, acc_sh.at[dstv.at[i0]], add=True)
            pltpu.async_copy(y_hbm.at[srcv.at[i_next]], rows, sem_a)
            pltpu.make_async_copy(y_hbm.at[srcv.at[0]], rows2, sem_b).wait()
            pltpu.sync_copy(rows2, acc_sh.at[dstv.at[i0 + 1]], add=True)
            return carry2

        lax.fori_loop(0, IBLK // 2, pair, 0)
        pltpu.make_async_copy(y_hbm.at[srcv.at[0]], rows, sem_a).wait()
        return carry

    lax.fori_loop(0, NCH_AGG // IBLK, blk_body, 0)
    plsc.subcore_barrier()
    for j in range(5):
        r0 = s * ROWS_PER_TILE + j * 128
        pltpu.sync_copy(acc_sh.at[pl.ds(r0, 128)], rows)
        pltpu.sync_copy(rows, out_hbm.at[c, pl.ds(r0, 128)])


def _agg_partials(y, src_r, dst_r, zeros_b):
    return pl.kernel(
        _agg_body,
        out_type=jax.ShapeDtypeStruct((NC, N_PAD, HID_CH), jnp.float32),
        mesh=_MESH,
        scratch_types=[
            pltpu.VMEM((IBLK, CHUNK), jnp.int32),
            pltpu.VMEM((IBLK, CHUNK), jnp.int32),
            pltpu.VMEM((CHUNK, HID_CH), jnp.float32),
            pltpu.VMEM((CHUNK, HID_CH), jnp.float32),
            pltpu.SemaphoreType.DMA,
            pltpu.SemaphoreType.DMA,
            pltpu.VMEM_SHARED((N_PAD, HID_CH), jnp.float32),
        ],
    )(y, src_r, dst_r, zeros_b)



def _dis(dp_ref):
    deg = dp_ref[:, 0:1] + dp_ref[:, 1:2] + 1.0
    return lax.rsqrt(deg)


def _tc1_body(x_ref, w_ref, dp_ref, y_ref):
    dis = _dis(dp_ref)
    y_ref[:N_NODES, :] = jnp.dot(x_ref[...], w_ref[...],
                                 preferred_element_type=jnp.float32) * dis


def _tc2_body(p_ref, y0_ref, dp_ref, b_ref, w_ref, y1_ref):
    dis = _dis(dp_ref)
    agg = (p_ref[0, :N_NODES, :] + p_ref[1, :N_NODES, :]
           + y0_ref[:N_NODES, :])
    h = jnp.maximum(agg * dis + b_ref[...], 0.0)
    y1_ref[:N_NODES, :] = jnp.dot(h, w_ref[...],
                                  preferred_element_type=jnp.float32) * dis


def _tc3_body(p_ref, y1_ref, dp_ref, b_ref, wm_ref, bm_ref, wl_ref, bl_ref,
              mean_ref, logstd_ref):
    dis = _dis(dp_ref)
    agg = (p_ref[0, :N_NODES, :] + p_ref[1, :N_NODES, :]
           + y1_ref[:N_NODES, :])
    h = jnp.maximum(agg * dis + b_ref[...], 0.0)
    mean_ref[...] = jnp.dot(h, wm_ref[...],
                            preferred_element_type=jnp.float32) + bm_ref[...]
    logstd_ref[...] = jnp.dot(h, wl_ref[...],
                              preferred_element_type=jnp.float32) + bl_ref[...]


_ytbl = jax.ShapeDtypeStruct((N_PAD, HID_CH), jnp.float32)
_tc1 = pl.pallas_call(_tc1_body, out_shape=_ytbl)
_tc2 = pl.pallas_call(_tc2_body, out_shape=_ytbl)
_tc3 = pl.pallas_call(
    _tc3_body, out_shape=(jax.ShapeDtypeStruct((N_NODES, OUT_CH), jnp.float32),
                          jax.ShapeDtypeStruct((N_NODES, OUT_CH), jnp.float32)))



def kernel(x, edge_index, W0, b0, W1, b1, Wm, bm, Wl, bl):
    src = edge_index[0].astype(jnp.int32)
    dst = edge_index[1].astype(jnp.int32)
    npad = E_PAD - N_EDGES
    src_r = jnp.concatenate([src, jnp.zeros((npad,), jnp.int32)])
    src_r = src_r.reshape(TOT_CH, CHUNK)
    junk = N_NODES + (jnp.arange(npad, dtype=jnp.int32) % (N_PAD - N_NODES))
    dst_r = jnp.concatenate([dst, junk]).reshape(TOT_CH, CHUNK)
    ones_c = jnp.ones((CHUNK,), jnp.float32)
    zeros_r = jnp.zeros((ROWS_PER_TILE,), jnp.float32)
    zeros_b = jnp.zeros((CHUNK, HID_CH), jnp.float32)

    dp = _deg_partials(dst_r, ones_c, zeros_r)
    dpt = dp[:, :N_NODES].T

    y0 = _tc1(x, W0, dpt)
    p0 = _agg_partials(y0, src_r, dst_r, zeros_b)
    y1 = _tc2(p0, y0, dpt, b0, W1)
    p1 = _agg_partials(y1, src_r, dst_r, zeros_b)
    mean, logstd = _tc3(p1, y1, dpt, b1, Wm, bm, Wl, bl)
    return (mean, logstd)

# --- scband reference (transcript-rebuilt; emitter-appended) ---
"""Pipeline reference for scband-i-vgae-encoder-7121055776880 (READ-ONLY COPY).

The authoritative reference and input builder live on the scoring server;
editing this copy changes nothing except your own understanding.
"""

import jax, jax.numpy as jnp
import numpy as np

N_NODES = 10000
N_EDGES = 320000
IN_CH = 128
HID_CH = 128
OUT_CH = 64


def gcn_conv(x, edge_index, W, b):
    # Faithful PyG GCNConv: linear transform, add self-loops, symmetric
    # degree normalization, scatter-add aggregation, then bias.
    N = x.shape[0]
    src = edge_index[0]
    dst = edge_index[1]
    loop = jnp.arange(N, dtype=edge_index.dtype)
    src = jnp.concatenate([src, loop])
    dst = jnp.concatenate([dst, loop])
    # edge weights are all ones; degree computed on target (col) nodes
    deg = jnp.zeros((N,), dtype=x.dtype).at[dst].add(1.0)
    deg_inv_sqrt = jnp.where(deg > 0, deg ** -0.5, 0.0)
    norm = deg_inv_sqrt[src] * deg_inv_sqrt[dst]
    xw = x @ W  # lin (no bias inside)
    msg = xw[src] * norm[:, None]
    out = jnp.zeros((N, W.shape[1]), dtype=x.dtype).at[dst].add(msg)
    return out + b


def setup_inputs(seed: int = 0) -> dict:
    key = jax.random.key(seed)
    ks = jax.random.split(key, 12)
    x = jax.random.normal(ks[0], (N_NODES, IN_CH), dtype=jnp.float32)
    edge_index = jax.random.randint(ks[1], (2, N_EDGES), 0, N_NODES, dtype=jnp.int64)
    s0 = 1.0 / np.sqrt(IN_CH)
    s1 = 1.0 / np.sqrt(HID_CH)
    W0 = jax.random.uniform(ks[2], (IN_CH, HID_CH), jnp.float32, -s0, s0)
    b0 = jax.random.uniform(ks[3], (HID_CH,), jnp.float32, -s0, s0)
    W1 = jax.random.uniform(ks[4], (HID_CH, HID_CH), jnp.float32, -s1, s1)
    b1 = jax.random.uniform(ks[5], (HID_CH,), jnp.float32, -s1, s1)
    Wm = jax.random.uniform(ks[6], (HID_CH, OUT_CH), jnp.float32, -s1, s1)
    bm = jax.random.uniform(ks[7], (OUT_CH,), jnp.float32, -s1, s1)
    Wl = jax.random.uniform(ks[8], (HID_CH, OUT_CH), jnp.float32, -s1, s1)
    bl = jax.random.uniform(ks[9], (OUT_CH,), jnp.float32, -s1, s1)
    return {"x": x, "edge_index": edge_index, "W0": W0, "b0": b0,
            "W1": W1, "b1": b1, "Wm": Wm, "bm": bm, "Wl": Wl, "bl": bl}


def reference(x, edge_index, W0, b0, W1, b1, Wm, bm, Wl, bl):
    h = gcn_conv(x, edge_index, W0, b0)
    h = jax.nn.relu(h)
    h = gcn_conv(h, edge_index, W1, b1)
    h = jax.nn.relu(h)
    mean = h @ Wm + bm
    logstd = h @ Wl + bl
    return (mean, logstd)

if __name__ == "__main__":
    import jax
    _d = setup_inputs()
    print(jax.jit(kernel)(*tuple(_d.values())))

</pallas_src>

<mosaic_0001>
#map = affine_map<(d0, d1) -> (0, 0)>
#map1 = affine_map<(d0, d1) -> (0, 0, 0)>
module attributes {stable_mosaic.version = 14 : i64} {
  func.func @_agg_body(%arg0: i32, %arg1: i32, %arg2: memref<10240x128xf32, #tpu.memory_space<hbm>>, %arg3: memref<2560x128xi32, #tpu.memory_space<hbm>>, %arg4: memref<2560x128xi32, #tpu.memory_space<hbm>>, %arg5: memref<128x128xf32, #tpu.memory_space<hbm>>, %arg6: memref<2x10240x128xf32, #tpu.memory_space<hbm>>, %arg7: memref<40x128xi32, #tpu.memory_space<vmem>>, %arg8: memref<40x128xi32, #tpu.memory_space<vmem>>, %arg9: memref<128x128xf32, #tpu.memory_space<vmem>>, %arg10: memref<128x128xf32, #tpu.memory_space<vmem>>, %arg11: memref<!tpu.dma_semaphore, #tpu.memory_space<semaphore_mem>>, %arg12: memref<!tpu.dma_semaphore, #tpu.memory_space<semaphore_mem>>, %arg13: memref<10240x128xf32, #tpu.memory_space<vmem_shared>>) attributes {dimension_semantics = [#tpu.dimension_semantics<core_parallel>, #tpu.dimension_semantics<subcore_parallel>], iteration_bounds = array<i64: 2, 16>, scalar_prefetch = 0 : i64, scratch_operands = 7 : i64, tpu.core_type = #tpu.core_type<sc_vector_subcore>, window_params = [{transform_indices = #map}, {transform_indices = #map}, {transform_indices = #map}, {transform_indices = #map}, {transform_indices = #map1}]} {
    %mul3A = arith.constant 16 : i32
    %mul3A_0 = arith.muli %arg0, %mul3A : i32
    %add3A = arith.addi %mul3A_0, %arg1 : i32
    %mul3A_1 = arith.constant 80 : i32
    %mul3A_2 = arith.muli %add3A, %mul3A_1 : i32
    "tpu.region"() ({
      %run_scoped3A = tpu.sem_alloc : memref<!tpu.dma_semaphore, #tpu.memory_space<semaphore_mem>>
      tpu.enqueue_dma source(%arg5 : memref<128x128xf32, #tpu.memory_space<hbm>>) target(%arg9 : memref<128x128xf32, #tpu.memory_space<vmem>>) target_semaphore(%run_scoped3A : memref<!tpu.dma_semaphore, #tpu.memory_space<semaphore_mem>>)
      tpu.wait_dma2 semaphore(%run_scoped3A : memref<!tpu.dma_semaphore, #tpu.memory_space<semaphore_mem>>) src(%arg5 : memref<128x128xf32, #tpu.memory_space<hbm>>) dst(%arg9 : memref<128x128xf32, #tpu.memory_space<vmem>>)
      tpu.yield
    }) : () -> ()
    %mul3A_3 = arith.constant 640 : i32
    %mul3A_4 = arith.muli %arg1, %mul3A_3 : i32
    %add3A_5 = arith.constant 0 : i32
    %add3A_6 = arith.addi %mul3A_4, %add3A_5 : i32
    "tpu.region"() ({
      %run_scoped3A = tpu.sem_alloc : memref<!tpu.dma_semaphore, #tpu.memory_space<semaphore_mem>>
      %dma_start3A = arith.constant 0 : i32
      %dma_start3A_49 = tpu.memref_slice %arg13[%add3A_6, %dma_start3A] : memref<10240x128xf32, #tpu.memory_space<vmem_shared>> -> memref<128x128xf32, #tpu.memory_space<vmem_shared>>
      %dma_start3A_50 = arith.constant 0 : i32
      %dma_start3A_51 = tpu.memref_slice %arg13[%add3A_6, %dma_start3A_50] : memref<10240x128xf32, #tpu.memory_space<vmem_shared>> -> memref<128x128xf32, #tpu.memory_space<vmem_shared>>
      tpu.enqueue_dma source(%arg9 : memref<128x128xf32, #tpu.memory_space<vmem>>) target(%dma_start3A_51 : memref<128x128xf32, #tpu.memory_space<vmem_shared>>) target_semaphore(%run_scoped3A : memref<!tpu.dma_semaphore, #tpu.memory_space<semaphore_mem>>)
      %dma_wait3A = arith.constant 0 : i32
      %dma_wait3A_52 = tpu.memref_slice %arg13[%add3A_6, %dma_wait3A] : memref<10240x128xf32, #tpu.memory_space<vmem_shared>> -> memref<128x128xf32, #tpu.memory_space<vmem_shared>>
      %dma_wait3A_53 = arith.constant 0 : i32
      %dma_wait3A_54 = tpu.memref_slice %arg13[%add3A_6, %dma_wait3A_53] : memref<10240x128xf32, #tpu.memory_space<vmem_shared>> -> memref<128x128xf32, #tpu.memory_space<vmem_shared>>
      tpu.wait_dma2 semaphore(%run_scoped3A : memref<!tpu.dma_semaphore, #tpu.memory_space<semaphore_mem>>) src(%arg9 : memref<128x128xf32, #tpu.memory_space<vmem>>) dst(%dma_wait3A_54 : memref<128x128xf32, #tpu.memory_space<vmem_shared>>)
      tpu.yield
    }) : () -> ()
    %mul3A_7 = arith.constant 640 : i32
    %mul3A_8 = arith.muli %arg1, %mul3A_7 : i32
    %add3A_9 = arith.constant 128 : i32
    %add3A_10 = arith.addi %mul3A_8, %add3A_9 : i32
    "tpu.region"() ({
      %run_scoped3A = tpu.sem_alloc : memref<!tpu.dma_semaphore, #tpu.memory_space<semaphore_mem>>
      %dma_start3A = arith.constant 0 : i32
      %dma_start3A_49 = tpu.memref_slice %arg13[%add3A_10, %dma_start3A] : memref<10240x128xf32, #tpu.memory_space<vmem_shared>> -> memref<128x128xf32, #tpu.memory_space<vmem_shared>>
      %dma_start3A_50 = arith.constant 0 : i32
      %dma_start3A_51 = tpu.memref_slice %arg13[%add3A_10, %dma_start3A_50] : memref<10240x128xf32, #tpu.memory_space<vmem_shared>> -> memref<128x128xf32, #tpu.memory_space<vmem_shared>>
      tpu.enqueue_dma source(%arg9 : memref<128x128xf32, #tpu.memory_space<vmem>>) target(%dma_start3A_51 : memref<128x128xf32, #tpu.memory_space<vmem_shared>>) target_semaphore(%run_scoped3A : memref<!tpu.dma_semaphore, #tpu.memory_space<semaphore_mem>>)
      %dma_wait3A = arith.constant 0 : i32
      %dma_wait3A_52 = tpu.memref_slice %arg13[%add3A_10, %dma_wait3A] : memref<10240x128xf32, #tpu.memory_space<vmem_shared>> -> memref<128x128xf32, #tpu.memory_space<vmem_shared>>
      %dma_wait3A_53 = arith.constant 0 : i32
      %dma_wait3A_54 = tpu.memref_slice %arg13[%add3A_10, %dma_wait3A_53] : memref<10240x128xf32, #tpu.memory_space<vmem_shared>> -> memref<128x128xf32, #tpu.memory_space<vmem_shared>>
      tpu.wait_dma2 semaphore(%run_scoped3A : memref<!tpu.dma_semaphore, #tpu.memory_space<semaphore_mem>>) src(%arg9 : memref<128x128xf32, #tpu.memory_space<vmem>>) dst(%dma_wait3A_54 : memref<128x128xf32, #tpu.memory_space<vmem_shared>>)
      tpu.yield
    }) : () -> ()
    %mul3A_11 = arith.constant 640 : i32
    %mul3A_12 = arith.muli %arg1, %mul3A_11 : i32
    %add3A_13 = arith.constant 256 : i32
    %add3A_14 = arith.addi %mul3A_12, %add3A_13 : i32
    "tpu.region"() ({
      %run_scoped3A = tpu.sem_alloc : memref<!tpu.dma_semaphore, #tpu.memory_space<semaphore_mem>>
      %dma_start3A = arith.constant 0 : i32
      %dma_start3A_49 = tpu.memref_slice %arg13[%add3A_14, %dma_start3A] : memref<10240x128xf32, #tpu.memory_space<vmem_shared>> -> memref<128x128xf32, #tpu.memory_space<vmem_shared>>
      %dma_start3A_50 = arith.constant 0 : i32
      %dma_start3A_51 = tpu.memref_slice %arg13[%add3A_14, %dma_start3A_50] : memref<10240x128xf32, #tpu.memory_space<vmem_shared>> -> memref<128x128xf32, #tpu.memory_space<vmem_shared>>
      tpu.enqueue_dma source(%arg9 : memref<128x128xf32, #tpu.memory_space<vmem>>) target(%dma_start3A_51 : memref<128x128xf32, #tpu.memory_space<vmem_shared>>) target_semaphore(%run_scoped3A : memref<!tpu.dma_semaphore, #tpu.memory_space<semaphore_mem>>)
      %dma_wait3A = arith.constant 0 : i32
      %dma_wait3A_52 = tpu.memref_slice %arg13[%add3A_14, %dma_wait3A] : memref<10240x128xf32, #tpu.memory_space<vmem_shared>> -> memref<128x128xf32, #tpu.memory_space<vmem_shared>>
      %dma_wait3A_53 = arith.constant 0 : i32
      %dma_wait3A_54 = tpu.memref_slice %arg13[%add3A_14, %dma_wait3A_53] : memref<10240x128xf32, #tpu.memory_space<vmem_shared>> -> memref<128x128xf32, #tpu.memory_space<vmem_shared>>
      tpu.wait_dma2 semaphore(%run_scoped3A : memref<!tpu.dma_semaphore, #tpu.memory_space<semaphore_mem>>) src(%arg9 : memref<128x128xf32, #tpu.memory_space<vmem>>) dst(%dma_wait3A_54 : memref<128x128xf32, #tpu.memory_space<vmem_shared>>)
      tpu.yield
    }) : () -> ()
    %mul3A_15 = arith.constant 640 : i32
    %mul3A_16 = arith.muli %arg1, %mul3A_15 : i32
    %add3A_17 = arith.constant 384 : i32
    %add3A_18 = arith.addi %mul3A_16, %add3A_17 : i32
    "tpu.region"() ({
      %run_scoped3A = tpu.sem_alloc : memref<!tpu.dma_semaphore, #tpu.memory_space<semaphore_mem>>
      %dma_start3A = arith.constant 0 : i32
      %dma_start3A_49 = tpu.memref_slice %arg13[%add3A_18, %dma_start3A] : memref<10240x128xf32, #tpu.memory_space<vmem_shared>> -> memref<128x128xf32, #tpu.memory_space<vmem_shared>>
      %dma_start3A_50 = arith.constant 0 : i32
      %dma_start3A_51 = tpu.memref_slice %arg13[%add3A_18, %dma_start3A_50] : memref<10240x128xf32, #tpu.memory_space<vmem_shared>> -> memref<128x128xf32, #tpu.memory_space<vmem_shared>>
      tpu.enqueue_dma source(%arg9 : memref<128x128xf32, #tpu.memory_space<vmem>>) target(%dma_start3A_51 : memref<128x128xf32, #tpu.memory_space<vmem_shared>>) target_semaphore(%run_scoped3A : memref<!tpu.dma_semaphore, #tpu.memory_space<semaphore_mem>>)
      %dma_wait3A = arith.constant 0 : i32
      %dma_wait3A_52 = tpu.memref_slice %arg13[%add3A_18, %dma_wait3A] : memref<10240x128xf32, #tpu.memory_space<vmem_shared>> -> memref<128x128xf32, #tpu.memory_space<vmem_shared>>
      %dma_wait3A_53 = arith.constant 0 : i32
      %dma_wait3A_54 = tpu.memref_slice %arg13[%add3A_18, %dma_wait3A_53] : memref<10240x128xf32, #tpu.memory_space<vmem_shared>> -> memref<128x128xf32, #tpu.memory_space<vmem_shared>>
      tpu.wait_dma2 semaphore(%run_scoped3A : memref<!tpu.dma_semaphore, #tpu.memory_space<semaphore_mem>>) src(%arg9 : memref<128x128xf32, #tpu.memory_space<vmem>>) dst(%dma_wait3A_54 : memref<128x128xf32, #tpu.memory_space<vmem_shared>>)
      tpu.yield
    }) : () -> ()
    %mul3A_19 = arith.constant 640 : i32
    %mul3A_20 = arith.muli %arg1, %mul3A_19 : i32
    %add3A_21 = arith.constant 512 : i32
    %add3A_22 = arith.addi %mul3A_20, %add3A_21 : i32
    "tpu.region"() ({
      %run_scoped3A = tpu.sem_alloc : memref<!tpu.dma_semaphore, #tpu.memory_space<semaphore_mem>>
      %dma_start3A = arith.constant 0 : i32
      %dma_start3A_49 = tpu.memref_slice %arg13[%add3A_22, %dma_start3A] : memref<10240x128xf32, #tpu.memory_space<vmem_shared>> -> memref<128x128xf32, #tpu.memory_space<vmem_shared>>
      %dma_start3A_50 = arith.constant 0 : i32
      %dma_start3A_51 = tpu.memref_slice %arg13[%add3A_22, %dma_start3A_50] : memref<10240x128xf32, #tpu.memory_space<vmem_shared>> -> memref<128x128xf32, #tpu.memory_space<vmem_shared>>
      tpu.enqueue_dma source(%arg9 : memref<128x128xf32, #tpu.memory_space<vmem>>) target(%dma_start3A_51 : memref<128x128xf32, #tpu.memory_space<vmem_shared>>) target_semaphore(%run_scoped3A : memref<!tpu.dma_semaphore, #tpu.memory_space<semaphore_mem>>)
      %dma_wait3A = arith.constant 0 : i32
      %dma_wait3A_52 = tpu.memref_slice %arg13[%add3A_22, %dma_wait3A] : memref<10240x128xf32, #tpu.memory_space<vmem_shared>> -> memref<128x128xf32, #tpu.memory_space<vmem_shared>>
      %dma_wait3A_53 = arith.constant 0 : i32
      %dma_wait3A_54 = tpu.memref_slice %arg13[%add3A_22, %dma_wait3A_53] : memref<10240x128xf32, #tpu.memory_space<vmem_shared>> -> memref<128x128xf32, #tpu.memory_space<vmem_shared>>
      tpu.wait_dma2 semaphore(%run_scoped3A : memref<!tpu.dma_semaphore, #tpu.memory_space<semaphore_mem>>) src(%arg9 : memref<128x128xf32, #tpu.memory_space<vmem>>) dst(%dma_wait3A_54 : memref<128x128xf32, #tpu.memory_space<vmem_shared>>)
      tpu.yield
    }) : () -> ()
    %barrier3A = arith.constant 0 : index
    tpu.barrier barrier_id(%barrier3A)
    %scan3A = arith.constant 0 : i32
    %scan3A_23 = arith.constant 0 : i32
    %scan3A_24 = arith.constant 2 : i32
    %scan3A_25 = arith.addi %scan3A_23, %scan3A_24 : i32
    %scan3A_26 = arith.constant 1 : i32
    scf.for %scan3A_49 = %scan3A_23 to %scan3A_25 step %scan3A_26  : i32 {
      %mul3A_50 = arith.constant 40 : i32
      %mul3A_51 = arith.muli %scan3A_49, %mul3A_50 : i32
      %add3A_52 = arith.addi %mul3A_2, %mul3A_51 : i32
      "tpu.region"() ({
        %run_scoped3A = tpu.sem_alloc : memref<!tpu.dma_semaphore, #tpu.memory_space<semaphore_mem>>
        %dma_start3A_71 = arith.constant 0 : i32
        %dma_start3A_72 = tpu.memref_slice %arg3[%add3A_52, %dma_start3A_71] : memref<2560x128xi32, #tpu.memory_space<hbm>> -> memref<40x128xi32, #tpu.memory_space<hbm>>
        %dma_start3A_73 = arith.constant 0 : i32
        %dma_start3A_74 = tpu.memref_slice %arg3[%add3A_52, %dma_start3A_73] : memref<2560x128xi32, #tpu.memory_space<hbm>> -> memref<40x128xi32, #tpu.memory_space<hbm>>
        tpu.enqueue_dma source(%dma_start3A_74 : memref<40x128xi32, #tpu.memory_space<hbm>>) target(%arg7 : memref<40x128xi32, #tpu.memory_space<vmem>>) target_semaphore(%run_scoped3A : memref<!tpu.dma_semaphore, #tpu.memory_space<semaphore_mem>>)
        %dma_wait3A_75 = arith.constant 0 : i32
        %dma_wait3A_76 = tpu.memref_slice %arg3[%add3A_52, %dma_wait3A_75] : memref<2560x128xi32, #tpu.memory_space<hbm>> -> memref<40x128xi32, #tpu.memory_space<hbm>>
        %dma_wait3A_77 = arith.constant 0 : i32
        %dma_wait3A_78 = tpu.memref_slice %arg3[%add3A_52, %dma_wait3A_77] : memref<2560x128xi32, #tpu.memory_space<hbm>> -> memref<40x128xi32, #tpu.memory_space<hbm>>
        tpu.wait_dma2 semaphore(%run_scoped3A : memref<!tpu.dma_semaphore, #tpu.memory_space<semaphore_mem>>) src(%dma_wait3A_78 : memref<40x128xi32, #tpu.memory_space<hbm>>) dst(%arg7 : memref<40x128xi32, #tpu.memory_space<vmem>>)
        tpu.yield
      }) : () -> ()
      "tpu.region"() ({
        %run_scoped3A = tpu.sem_alloc : memref<!tpu.dma_semaphore, #tpu.memory_space<semaphore_mem>>
        %dma_start3A_71 = arith.constant 0 : i32
        %dma_start3A_72 = tpu.memref_slice %arg4[%add3A_52, %dma_start3A_71] : memref<2560x128xi32, #tpu.memory_space<hbm>> -> memref<40x128xi32, #tpu.memory_space<hbm>>
        %dma_start3A_73 = arith.constant 0 : i32
        %dma_start3A_74 = tpu.memref_slice %arg4[%add3A_52, %dma_start3A_73] : memref<2560x128xi32, #tpu.memory_space<hbm>> -> memref<40x128xi32, #tpu.memory_space<hbm>>
        tpu.enqueue_dma source(%dma_start3A_74 : memref<40x128xi32, #tpu.memory_space<hbm>>) target(%arg8 : memref<40x128xi32, #tpu.memory_space<vmem>>) target_semaphore(%run_scoped3A : memref<!tpu.dma_semaphore, #tpu.memory_space<semaphore_mem>>)
        %dma_wait3A_75 = arith.constant 0 : i32
        %dma_wait3A_76 = tpu.memref_slice %arg4[%add3A_52, %dma_wait3A_75] : memref<2560x128xi32, #tpu.memory_space<hbm>> -> memref<40x128xi32, #tpu.memory_space<hbm>>
        %dma_wait3A_77 = arith.constant 0 : i32
        %dma_wait3A_78 = tpu.memref_slice %arg4[%add3A_52, %dma_wait3A_77] : memref<2560x128xi32, #tpu.memory_space<hbm>> -> memref<40x128xi32, #tpu.memory_space<hbm>>
        tpu.wait_dma2 semaphore(%run_scoped3A : memref<!tpu.dma_semaphore, #tpu.memory_space<semaphore_mem>>) src(%dma_wait3A_78 : memref<40x128xi32, #tpu.memory_space<hbm>>) dst(%arg8 : memref<40x128xi32, #tpu.memory_space<vmem>>)
        tpu.yield
      }) : () -> ()
      %dma_start3A = arith.constant 0 : i32
      %dma_start3A_53 = arith.constant 0 : i32
      %dma_start3A_54 = tpu.memref_slice %arg7[%dma_start3A, %dma_start3A_53] : memref<40x128xi32, #tpu.memory_space<vmem>> -> memref<1x128xi32, #tpu.memory_space<vmem>>
      %dma_start3A_55 = tpu.memref_squeeze %dma_start3A_54 : memref<1x128xi32, #tpu.memory_space<vmem>> -> memref<128xi32, #tpu.memory_space<vmem>>
      %dma_start3A_56 = arith.constant 0 : i32
      %dma_start3A_57 = arith.constant 0 : i32
      %dma_start3A_58 = tpu.memref_slice %arg2[%dma_start3A_56, %dma_start3A_57] : memref<10240x128xf32, #tpu.memory_space<hbm>> -> memref<10240x128xf32, #tpu.memory_space<hbm>>
      tpu.enqueue_indirect_dma source(%dma_start3A_58 : memref<10240x128xf32, #tpu.memory_space<hbm>>) target(%arg9 : memref<128x128xf32, #tpu.memory_space<vmem>>) offsets(%dma_start3A_55 : memref<128xi32, #tpu.memory_space<vmem>>) semaphore(%arg11 : memref<!tpu.dma_semaphore, #tpu.memory_space<semaphore_mem>>)
      %scan3A_59 = arith.constant 0 : i32
      %scan3A_60 = arith.constant 0 : i32
      %scan3A_61 = arith.constant 20 : i32
      %scan3A_62 = arith.addi %scan3A_60, %scan3A_61 : i32
      %scan3A_63 = arith.constant 1 : i32
      scf.for %scan3A_71 = %scan3A_60 to %scan3A_62 step %scan3A_63  : i32 {
        %mul3A_72 = arith.constant 2 : i32
        %mul3A_73 = arith.muli %mul3A_72, %scan3A_71 : i32
        %add3A_74 = arith.constant 2 : i32
        %add3A_75 = arith.addi %mul3A_73, %add3A_74 : i32
        %min3A = arith.constant 39 : i32
        %min3A_76 = arith.minsi %add3A_75, %min3A : i32
        %add3A_77 = arith.constant 1 : i32
        %add3A_78 = arith.addi %mul3A_73, %add3A_77 : i32
        %dma_start3A_79 = arith.constant 0 : i32
        %dma_start3A_80 = tpu.memref_slice %arg7[%add3A_78, %dma_start3A_79] : memref<40x128xi32, #tpu.memory_space<vmem>> -> memref<1x128xi32, #tpu.memory_space<vmem>>
        %dma_start3A_81 = tpu.memref_squeeze %dma_start3A_80 : memref<1x128xi32, #tpu.memory_space<vmem>> -> memref<128xi32, #tpu.memory_space<vmem>>
        %dma_start3A_82 = arith.constant 0 : i32
        %dma_start3A_83 = arith.constant 0 : i32
        %dma_start3A_84 = tpu.memref_slice %arg2[%dma_start3A_82, %dma_start3A_83] : memref<10240x128xf32, #tpu.memory_space<hbm>> -> memref<10240x128xf32, #tpu.memory_space<hbm>>
        tpu.enqueue_indirect_dma source(%dma_start3A_84 : memref<10240x128xf32, #tpu.memory_space<hbm>>) target(%arg10 : memref<128x128xf32, #tpu.memory_space<vmem>>) offsets(%dma_start3A_81 : memref<128xi32, #tpu.memory_space<vmem>>) semaphore(%arg12 : memref<!tpu.dma_semaphore, #tpu.memory_space<semaphore_mem>>)
        %dma_wait3A_85 = arith.constant 0 : i32
        %dma_wait3A_86 = arith.constant 0 : i32
        %dma_wait3A_87 = tpu.memref_slice %arg7[%dma_wait3A_85, %dma_wait3A_86] : memref<40x128xi32, #tpu.memory_space<vmem>> -> memref<1x128xi32, #tpu.memory_space<vmem>>
        %dma_wait3A_88 = tpu.memref_squeeze %dma_wait3A_87 : memref<1x128xi32, #tpu.memory_space<vmem>> -> memref<128xi32, #tpu.memory_space<vmem>>
        %dma_wait3A_89 = arith.constant 0 : i32
        %dma_wait3A_90 = arith.constant 0 : i32
        %dma_wait3A_91 = tpu.memref_slice %arg2[%dma_wait3A_89, %dma_wait3A_90] : memref<10240x128xf32, #tpu.memory_space<hbm>> -> memref<10240x128xf32, #tpu.memory_space<hbm>>
        tpu.wait_indirect_dma semaphore(%arg11 : memref<!tpu.dma_semaphore, #tpu.memory_space<semaphore_mem>>) src(%dma_wait3A_91 : memref<10240x128xf32, #tpu.memory_space<hbm>>) dst(%arg9 : memref<128x128xf32, #tpu.memory_space<vmem>>)
        "tpu.region"() ({
          %run_scoped3A = tpu.sem_alloc : memref<!tpu.dma_semaphore, #tpu.memory_space<semaphore_mem>>
          %dma_start3A_107 = arith.constant 0 : i32
          %dma_start3A_108 = tpu.memref_slice %arg8[%mul3A_73, %dma_start3A_107] : memref<40x128xi32, #tpu.memory_space<vmem>> -> memref<1x128xi32, #tpu.memory_space<vmem>>
          %dma_start3A_109 = tpu.memref_squeeze %dma_start3A_108 : memref<1x128xi32, #tpu.memory_space<vmem>> -> memref<128xi32, #tpu.memory_space<vmem>>
          %dma_start3A_110 = arith.constant 0 : i32
          %dma_start3A_111 = arith.constant 0 : i32
          %dma_start3A_112 = tpu.memref_slice %arg13[%dma_start3A_110, %dma_start3A_111] : memref<10240x128xf32, #tpu.memory_space<vmem_shared>> -> memref<10240x128xf32, #tpu.memory_space<vmem_shared>>
          tpu.enqueue_indirect_dma source(%arg9 : memref<128x128xf32, #tpu.memory_space<vmem>>) target(%dma_start3A_112 : memref<10240x128xf32, #tpu.memory_space<vmem_shared>>) offsets(%dma_start3A_109 : memref<128xi32, #tpu.memory_space<vmem>>) semaphore(%run_scoped3A : memref<!tpu.dma_semaphore, #tpu.memory_space<semaphore_mem>>) {add = true}
          %dma_wait3A_113 = arith.constant 0 : i32
          %dma_wait3A_114 = tpu.memref_slice %arg8[%mul3A_73, %dma_wait3A_113] : memref<40x128xi32, #tpu.memory_space<vmem>> -> memref<1x128xi32, #tpu.memory_space<vmem>>
          %dma_wait3A_115 = tpu.memref_squeeze %dma_wait3A_114 : memref<1x128xi32, #tpu.memory_space<vmem>> -> memref<128xi32, #tpu.memory_space<vmem>>
          %dma_wait3A_116 = arith.constant 0 : i32
          %dma_wait3A_117 = arith.constant 0 : i32
          %dma_wait3A_118 = tpu.memref_slice %arg13[%dma_wait3A_116, %dma_wait3A_117] : memref<10240x128xf32, #tpu.memory_space<vmem_shared>> -> memref<10240x128xf32, #tpu.memory_space<vmem_shared>>
          tpu.wait_indirect_dma semaphore(%run_scoped3A : memref<!tpu.dma_semaphore, #tpu.memory_space<semaphore_mem>>) src(%arg9 : memref<128x128xf32, #tpu.memory_space<vmem>>) dst(%dma_wait3A_118 : memref<10240x128xf32, #tpu.memory_space<vmem_shared>>)
          tpu.yield
        }) : () -> ()
        %dma_start3A_92 = arith.constant 0 : i32
        %dma_start3A_93 = tpu.memref_slice %arg7[%min3A_76, %dma_start3A_92] : memref<40x128xi32, #tpu.memory_space<vmem>> -> memref<1x128xi32, #tpu.memory_space<vmem>>
        %dma_start3A_94 = tpu.memref_squeeze %dma_start3A_93 : memref<1x128xi32, #tpu.memory_space<vmem>> -> memref<128xi32, #tpu.memory_space<vmem>>
        %dma_start3A_95 = arith.constant 0 : i32
        %dma_start3A_96 = arith.constant 0 : i32
        %dma_start3A_97 = tpu.memref_slice %arg2[%dma_start3A_95, %dma_start3A_96] : memref<10240x128xf32, #tpu.memory_space<hbm>> -> memref<10240x128xf32, #tpu.memory_space<hbm>>
        tpu.enqueue_indirect_dma source(%dma_start3A_97 : memref<10240x128xf32, #tpu.memory_space<hbm>>) target(%arg9 : memref<128x128xf32, #tpu.memory_space<vmem>>) offsets(%dma_start3A_94 : memref<128xi32, #tpu.memory_space<vmem>>) semaphore(%arg11 : memref<!tpu.dma_semaphore, #tpu.memory_space<semaphore_mem>>)
        %dma_wait3A_98 = arith.constant 0 : i32
        %dma_wait3A_99 = arith.constant 0 : i32
        %dma_wait3A_100 = tpu.memref_slice %arg7[%dma_wait3A_98, %dma_wait3A_99] : memref<40x128xi32, #tpu.memory_space<vmem>> -> memref<1x128xi32, #tpu.memory_space<vmem>>
        %dma_wait3A_101 = tpu.memref_squeeze %dma_wait3A_100 : memref<1x128xi32, #tpu.memory_space<vmem>> -> memref<128xi32, #tpu.memory_space<vmem>>
        %dma_wait3A_102 = arith.constant 0 : i32
        %dma_wait3A_103 = arith.constant 0 : i32
        %dma_wait3A_104 = tpu.memref_slice %arg2[%dma_wait3A_102, %dma_wait3A_103] : memref<10240x128xf32, #tpu.memory_space<hbm>> -> memref<10240x128xf32, #tpu.memory_space<hbm>>
        tpu.wait_indirect_dma semaphore(%arg12 : memref<!tpu.dma_semaphore, #tpu.memory_space<semaphore_mem>>) src(%dma_wait3A_104 : memref<10240x128xf32, #tpu.memory_space<hbm>>) dst(%arg10 : memref<128x128xf32, #tpu.memory_space<vmem>>)
        %add3A_105 = arith.constant 1 : i32
        %add3A_106 = arith.addi %mul3A_73, %add3A_105 : i32
        "tpu.region"() ({
          %run_scoped3A = tpu.sem_alloc : memref<!tpu.dma_semaphore, #tpu.memory_space<semaphore_mem>>
          %dma_start3A_107 = arith.constant 0 : i32
          %dma_start3A_108 = tpu.memref_slice %arg8[%add3A_106, %dma_start3A_107] : memref<40x128xi32, #tpu.memory_space<vmem>> -> memref<1x128xi32, #tpu.memory_space<vmem>>
          %dma_start3A_109 = tpu.memref_squeeze %dma_start3A_108 : memref<1x128xi32, #tpu.memory_space<vmem>> -> memref<128xi32, #tpu.memory_space<vmem>>
          %dma_start3A_110 = arith.constant 0 : i32
          %dma_start3A_111 = arith.constant 0 : i32
          %dma_start3A_112 = tpu.memref_slice %arg13[%dma_start3A_110, %dma_start3A_111] : memref<10240x128xf32, #tpu.memory_space<vmem_shared>> -> memref<10240x128xf32, #tpu.memory_space<vmem_shared>>
          tpu.enqueue_indirect_dma source(%arg10 : memref<128x128xf32, #tpu.memory_space<vmem>>) target(%dma_start3A_112 : memref<10240x128xf32, #tpu.memory_space<vmem_shared>>) offsets(%dma_start3A_109 : memref<128xi32, #tpu.memory_space<vmem>>) semaphore(%run_scoped3A : memref<!tpu.dma_semaphore, #tpu.memory_space<semaphore_mem>>) {add = true}
          %dma_wait3A_113 = arith.constant 0 : i32
          %dma_wait3A_114 = tpu.memref_slice %arg8[%add3A_106, %dma_wait3A_113] : memref<40x128xi32, #tpu.memory_space<vmem>> -> memref<1x128xi32, #tpu.memory_space<vmem>>
          %dma_wait3A_115 = tpu.memref_squeeze %dma_wait3A_114 : memref<1x128xi32, #tpu.memory_space<vmem>> -> memref<128xi32, #tpu.memory_space<vmem>>
          %dma_wait3A_116 = arith.constant 0 : i32
          %dma_wait3A_117 = arith.constant 0 : i32
          %dma_wait3A_118 = tpu.memref_slice %arg13[%dma_wait3A_116, %dma_wait3A_117] : memref<10240x128xf32, #tpu.memory_space<vmem_shared>> -> memref<10240x128xf32, #tpu.memory_space<vmem_shared>>
          tpu.wait_indirect_dma semaphore(%run_scoped3A : memref<!tpu.dma_semaphore, #tpu.memory_space<semaphore_mem>>) src(%arg10 : memref<128x128xf32, #tpu.memory_space<vmem>>) dst(%dma_wait3A_118 : memref<10240x128xf32, #tpu.memory_space<vmem_shared>>)
          tpu.yield
        }) : () -> ()
      }
      %scan3A_64 = arith.constant 20 : i32
      %dma_wait3A = arith.constant 0 : i32
      %dma_wait3A_65 = arith.constant 0 : i32
      %dma_wait3A_66 = tpu.memref_slice %arg7[%dma_wait3A, %dma_wait3A_65] : memref<40x128xi32, #tpu.memory_space<vmem>> -> memref<1x128xi32, #tpu.memory_space<vmem>>
      %dma_wait3A_67 = tpu.memref_squeeze %dma_wait3A_66 : memref<1x128xi32, #tpu.memory_space<vmem>> -> memref<128xi32, #tpu.memory_space<vmem>>
      %dma_wait3A_68 = arith.constant 0 : i32
      %dma_wait3A_69 = arith.constant 0 : i32
      %dma_wait3A_70 = tpu.memref_slice %arg2[%dma_wait3A_68, %dma_wait3A_69] : memref<10240x128xf32, #tpu.memory_space<hbm>> -> memref<10240x128xf32, #tpu.memory_space<hbm>>
      tpu.wait_indirect_dma semaphore(%arg11 : memref<!tpu.dma_semaphore, #tpu.memory_space<semaphore_mem>>) src(%dma_wait3A_70 : memref<10240x128xf32, #tpu.memory_space<hbm>>) dst(%arg9 : memref<128x128xf32, #tpu.memory_space<vmem>>)
    }
    %scan3A_27 = arith.constant 2 : i32
    %barrier3A_28 = arith.constant 0 : index
    tpu.barrier barrier_id(%barrier3A_28)
    %mul3A_29 = arith.constant 640 : i32
    %mul3A_30 = arith.muli %arg1, %mul3A_29 : i32
    %add3A_31 = arith.constant 0 : i32
    %add3A_32 = arith.addi %mul3A_30, %add3A_31 : i32
    "tpu.region"() ({
      %run_scoped3A = tpu.sem_alloc : memref<!tpu.dma_semaphore, #tpu.memory_space<semaphore_mem>>
      %dma_start3A = arith.constant 0 : i32
      %dma_start3A_49 = tpu.memref_slice %arg13[%add3A_32, %dma_start3A] : memref<10240x128xf32, #tpu.memory_space<vmem_shared>> -> memref<128x128xf32, #tpu.memory_space<vmem_shared>>
      %dma_start3A_50 = arith.constant 0 : i32
      %dma_start3A_51 = tpu.memref_slice %arg13[%add3A_32, %dma_start3A_50] : memref<10240x128xf32, #tpu.memory_space<vmem_shared>> -> memref<128x128xf32, #tpu.memory_space<vmem_shared>>
      tpu.enqueue_dma source(%dma_start3A_51 : memref<128x128xf32, #tpu.memory_space<vmem_shared>>) target(%arg9 : memref<128x128xf32, #tpu.memory_space<vmem>>) target_semaphore(%run_scoped3A : memref<!tpu.dma_semaphore, #tpu.memory_space<semaphore_mem>>)
      %dma_wait3A = arith.constant 0 : i32
      %dma_wait3A_52 = tpu.memref_slice %arg13[%add3A_32, %dma_wait3A] : memref<10240x128xf32, #tpu.memory_space<vmem_shared>> -> memref<128x128xf32, #tpu.memory_space<vmem_shared>>
      %dma_wait3A_53 = arith.constant 0 : i32
      %dma_wait3A_54 = tpu.memref_slice %arg13[%add3A_32, %dma_wait3A_53] : memref<10240x128xf32, #tpu.memory_space<vmem_shared>> -> memref<128x128xf32, #tpu.memory_space<vmem_shared>>
      tpu.wait_dma2 semaphore(%run_scoped3A : memref<!tpu.dma_semaphore, #tpu.memory_space<semaphore_mem>>) src(%dma_wait3A_54 : memref<128x128xf32, #tpu.memory_space<vmem_shared>>) dst(%arg9 : memref<128x128xf32, #tpu.memory_space<vmem>>)
      tpu.yield
    }) : () -> ()
    "tpu.region"() ({
      %run_scoped3A = tpu.sem_alloc : memref<!tpu.dma_semaphore, #tpu.memory_space<semaphore_mem>>
      %dma_start3A = arith.constant 0 : i32
      %dma_start3A_49 = tpu.memref_slice %arg6[%arg0, %add3A_32, %dma_start3A] : memref<2x10240x128xf32, #tpu.memory_space<hbm>> -> memref<1x128x128xf32, #tpu.memory_space<hbm>>
      %dma_start3A_50 = tpu.memref_squeeze %dma_start3A_49 : memref<1x128x128xf32, #tpu.memory_space<hbm>> -> memref<128x128xf32, #tpu.memory_space<hbm>>
      %dma_start3A_51 = arith.constant 0 : i32
      %dma_start3A_52 = tpu.memref_slice %arg6[%arg0, %add3A_32, %dma_start3A_51] : memref<2x10240x128xf32, #tpu.memory_space<hbm>> -> memref<1x128x128xf32, #tpu.memory_space<hbm>>
      %dma_start3A_53 = tpu.memref_squeeze %dma_start3A_52 : memref<1x128x128xf32, #tpu.memory_space<hbm>> -> memref<128x128xf32, #tpu.memory_space<hbm>>
      tpu.enqueue_dma source(%arg9 : memref<128x128xf32, #tpu.memory_space<vmem>>) target(%dma_start3A_53 : memref<128x128xf32, #tpu.memory_space<hbm>>) target_semaphore(%run_scoped3A : memref<!tpu.dma_semaphore, #tpu.memory_space<semaphore_mem>>)
      %dma_wait3A = arith.constant 0 : i32
      %dma_wait3A_54 = tpu.memref_slice %arg6[%arg0, %add3A_32, %dma_wait3A] : memref<2x10240x128xf32, #tpu.memory_space<hbm>> -> memref<1x128x128xf32, #tpu.memory_space<hbm>>
      %dma_wait3A_55 = tpu.memref_squeeze %dma_wait3A_54 : memref<1x128x128xf32, #tpu.memory_space<hbm>> -> memref<128x128xf32, #tpu.memory_space<hbm>>
      %dma_wait3A_56 = arith.constant 0 : i32
      %dma_wait3A_57 = tpu.memref_slice %arg6[%arg0, %add3A_32, %dma_wait3A_56] : memref<2x10240x128xf32, #tpu.memory_space<hbm>> -> memref<1x128x128xf32, #tpu.memory_space<hbm>>
      %dma_wait3A_58 = tpu.memref_squeeze %dma_wait3A_57 : memref<1x128x128xf32, #tpu.memory_space<hbm>> -> memref<128x128xf32, #tpu.memory_space<hbm>>
      tpu.wait_dma2 semaphore(%run_scoped3A : memref<!tpu.dma_semaphore, #tpu.memory_space<semaphore_mem>>) src(%arg9 : memref<128x128xf32, #tpu.memory_space<vmem>>) dst(%dma_wait3A_58 : memref<128x128xf32, #tpu.memory_space<hbm>>)
      tpu.yield
    }) : () -> ()
    %mul3A_33 = arith.constant 640 : i32
    %mul3A_34 = arith.muli %arg1, %mul3A_33 : i32
    %add3A_35 = arith.constant 128 : i32
    %add3A_36 = arith.addi %mul3A_34, %add3A_35 : i32
    "tpu.region"() ({
      %run_scoped3A = tpu.sem_alloc : memref<!tpu.dma_semaphore, #tpu.memory_space<semaphore_mem>>
      %dma_start3A = arith.constant 0 : i32
      %dma_start3A_49 = tpu.memref_slice %arg13[%add3A_36, %dma_start3A] : memref<10240x128xf32, #tpu.memory_space<vmem_shared>> -> memref<128x128xf32, #tpu.memory_space<vmem_shared>>
      %dma_start3A_50 = arith.constant 0 : i32
      %dma_start3A_51 = tpu.memref_slice %arg13[%add3A_36, %dma_start3A_50] : memref<10240x128xf32, #tpu.memory_space<vmem_shared>> -> memref<128x128xf32, #tpu.memory_space<vmem_shared>>
      tpu.enqueue_dma source(%dma_start3A_51 : memref<128x128xf32, #tpu.memory_space<vmem_shared>>) target(%arg9 : memref<128x128xf32, #tpu.memory_space<vmem>>) target_semaphore(%run_scoped3A : memref<!tpu.dma_semaphore, #tpu.memory_space<semaphore_mem>>)
      %dma_wait3A = arith.constant 0 : i32
      %dma_wait3A_52 = tpu.memref_slice %arg13[%add3A_36, %dma_wait3A] : memref<10240x128xf32, #tpu.memory_space<vmem_shared>> -> memref<128x128xf32, #tpu.memory_space<vmem_shared>>
      %dma_wait3A_53 = arith.constant 0 : i32
      %dma_wait3A_54 = tpu.memref_slice %arg13[%add3A_36, %dma_wait3A_53] : memref<10240x128xf32, #tpu.memory_space<vmem_shared>> -> memref<128x128xf32, #tpu.memory_space<vmem_shared>>
      tpu.wait_dma2 semaphore(%run_scoped3A : memref<!tpu.dma_semaphore, #tpu.memory_space<semaphore_mem>>) src(%dma_wait3A_54 : memref<128x128xf32, #tpu.memory_space<vmem_shared>>) dst(%arg9 : memref<128x128xf32, #tpu.memory_space<vmem>>)
      tpu.yield
    }) : () -> ()
    "tpu.region"() ({
      %run_scoped3A = tpu.sem_alloc : memref<!tpu.dma_semaphore, #tpu.memory_space<semaphore_mem>>
      %dma_start3A = arith.constant 0 : i32
      %dma_start3A_49 = tpu.memref_slice %arg6[%arg0, %add3A_36, %dma_start3A] : memref<2x10240x128xf32, #tpu.memory_space<hbm>> -> memref<1x128x128xf32, #tpu.memory_space<hbm>>
      %dma_start3A_50 = tpu.memref_squeeze %dma_start3A_49 : memref<1x128x128xf32, #tpu.memory_space<hbm>> -> memref<128x128xf32, #tpu.memory_space<hbm>>
      %dma_start3A_51 = arith.constant 0 : i32
      %dma_start3A_52 = tpu.memref_slice %arg6[%arg0, %add3A_36, %dma_start3A_51] : memref<2x10240x128xf32, #tpu.memory_space<hbm>> -> memref<1x128x128xf32, #tpu.memory_space<hbm>>
      %dma_start3A_53 = tpu.memref_squeeze %dma_start3A_52 : memref<1x128x128xf32, #tpu.memory_space<hbm>> -> memref<128x128xf32, #tpu.memory_space<hbm>>
      tpu.enqueue_dma source(%arg9 : memref<128x128xf32, #tpu.memory_space<vmem>>) target(%dma_start3A_53 : memref<128x128xf32, #tpu.memory_space<hbm>>) target_semaphore(%run_scoped3A : memref<!tpu.dma_semaphore, #tpu.memory_space<semaphore_mem>>)
      %dma_wait3A = arith.constant 0 : i32
      %dma_wait3A_54 = tpu.memref_slice %arg6[%arg0, %add3A_36, %dma_wait3A] : memref<2x10240x128xf32, #tpu.memory_space<hbm>> -> memref<1x128x128xf32, #tpu.memory_space<hbm>>
      %dma_wait3A_55 = tpu.memref_squeeze %dma_wait3A_54 : memref<1x128x128xf32, #tpu.memory_space<hbm>> -> memref<128x128xf32, #tpu.memory_space<hbm>>
      %dma_wait3A_56 = arith.constant 0 : i32
      %dma_wait3A_57 = tpu.memref_slice %arg6[%arg0, %add3A_36, %dma_wait3A_56] : memref<2x10240x128xf32, #tpu.memory_space<hbm>> -> memref<1x128x128xf32, #tpu.memory_space<hbm>>
      %dma_wait3A_58 = tpu.memref_squeeze %dma_wait3A_57 : memref<1x128x128xf32, #tpu.memory_space<hbm>> -> memref<128x128xf32, #tpu.memory_space<hbm>>
      tpu.wait_dma2 semaphore(%run_scoped3A : memref<!tpu.dma_semaphore, #tpu.memory_space<semaphore_mem>>) src(%arg9 : memref<128x128xf32, #tpu.memory_space<vmem>>) dst(%dma_wait3A_58 : memref<128x128xf32, #tpu.memory_space<hbm>>)
      tpu.yield
    }) : () -> ()
    %mul3A_37 = arith.constant 640 : i32
    %mul3A_38 = arith.muli %arg1, %mul3A_37 : i32
    %add3A_39 = arith.constant 256 : i32
    %add3A_40 = arith.addi %mul3A_38, %add3A_39 : i32
    "tpu.region"() ({
      %run_scoped3A = tpu.sem_alloc : memref<!tpu.dma_semaphore, #tpu.memory_space<semaphore_mem>>
      %dma_start3A = arith.constant 0 : i32
      %dma_start3A_49 = tpu.memref_slice %arg13[%add3A_40, %dma_start3A] : memref<10240x128xf32, #tpu.memory_space<vmem_shared>> -> memref<128x128xf32, #tpu.memory_space<vmem_shared>>
      %dma_start3A_50 = arith.constant 0 : i32
      %dma_start3A_51 = tpu.memref_slice %arg13[%add3A_40, %dma_start3A_50] : memref<10240x128xf32, #tpu.memory_space<vmem_shared>> -> memref<128x128xf32, #tpu.memory_space<vmem_shared>>
      tpu.enqueue_dma source(%dma_start3A_51 : memref<128x128xf32, #tpu.memory_space<vmem_shared>>) target(%arg9 : memref<128x128xf32, #tpu.memory_space<vmem>>) target_semaphore(%run_scoped3A : memref<!tpu.dma_semaphore, #tpu.memory_space<semaphore_mem>>)
      %dma_wait3A = arith.constant 0 : i32
      %dma_wait3A_52 = tpu.memref_slice %arg13[%add3A_40, %dma_wait3A] : memref<10240x128xf32, #tpu.memory_space<vmem_shared>> -> memref<128x128xf32, #tpu.memory_space<vmem_shared>>
      %dma_wait3A_53 = arith.constant 0 : i32
      %dma_wait3A_54 = tpu.memref_slice %arg13[%add3A_40, %dma_wait3A_53] : memref<10240x128xf32, #tpu.memory_space<vmem_shared>> -> memref<128x128xf32, #tpu.memory_space<vmem_shared>>
      tpu.wait_dma2 semaphore(%run_scoped3A : memref<!tpu.dma_semaphore, #tpu.memory_space<semaphore_mem>>) src(%dma_wait3A_54 : memref<128x128xf32, #tpu.memory_space<vmem_shared>>) dst(%arg9 : memref<128x128xf32, #tpu.memory_space<vmem>>)
      tpu.yield
    }) : () -> ()
    "tpu.region"() ({
      %run_scoped3A = tpu.sem_alloc : memref<!tpu.dma_semaphore, #tpu.memory_space<semaphore_mem>>
      %dma_start3A = arith.constant 0 : i32
      %dma_start3A_49 = tpu.memref_slice %arg6[%arg0, %add3A_40, %dma_start3A] : memref<2x10240x128xf32, #tpu.memory_space<hbm>> -> memref<1x128x128xf32, #tpu.memory_space<hbm>>
      %dma_start3A_50 = tpu.memref_squeeze %dma_start3A_49 : memref<1x128x128xf32, #tpu.memory_space<hbm>> -> memref<128x128xf32, #tpu.memory_space<hbm>>
      %dma_start3A_51 = arith.constant 0 : i32
      %dma_start3A_52 = tpu.memref_slice %arg6[%arg0, %add3A_40, %dma_start3A_51] : memref<2x10240x128xf32, #tpu.memory_space<hbm>> -> memref<1x128x128xf32, #tpu.memory_space<hbm>>
      %dma_start3A_53 = tpu.memref_squeeze %dma_start3A_52 : memref<1x128x128xf32, #tpu.memory_space<hbm>> -> memref<128x128xf32, #tpu.memory_space<hbm>>
      tpu.enqueue_dma source(%arg9 : memref<128x128xf32, #tpu.memory_space<vmem>>) target(%dma_start3A_53 : memref<128x128xf32, #tpu.memory_space<hbm>>) target_semaphore(%run_scoped3A : memref<!tpu.dma_semaphore, #tpu.memory_space<semaphore_mem>>)
      %dma_wait3A = arith.constant 0 : i32
      %dma_wait3A_54 = tpu.memref_slice %arg6[%arg0, %add3A_40, %dma_wait3A] : memref<2x10240x128xf32, #tpu.memory_space<hbm>> -> memref<1x128x128xf32, #tpu.memory_space<hbm>>
      %dma_wait3A_55 = tpu.memref_squeeze %dma_wait3A_54 : memref<1x128x128xf32, #tpu.memory_space<hbm>> -> memref<128x128xf32, #tpu.memory_space<hbm>>
      %dma_wait3A_56 = arith.constant 0 : i32
      %dma_wait3A_57 = tpu.memref_slice %arg6[%arg0, %add3A_40, %dma_wait3A_56] : memref<2x10240x128xf32, #tpu.memory_space<hbm>> -> memref<1x128x128xf32, #tpu.memory_space<hbm>>
      %dma_wait3A_58 = tpu.memref_squeeze %dma_wait3A_57 : memref<1x128x128xf32, #tpu.memory_space<hbm>> -> memref<128x128xf32, #tpu.memory_space<hbm>>
      tpu.wait_dma2 semaphore(%run_scoped3A : memref<!tpu.dma_semaphore, #tpu.memory_space<semaphore_mem>>) src(%arg9 : memref<128x128xf32, #tpu.memory_space<vmem>>) dst(%dma_wait3A_58 : memref<128x128xf32, #tpu.memory_space<hbm>>)
      tpu.yield
    }) : () -> ()
    %mul3A_41 = arith.constant 640 : i32
    %mul3A_42 = arith.muli %arg1, %mul3A_41 : i32
    %add3A_43 = arith.constant 384 : i32
    %add3A_44 = arith.addi %mul3A_42, %add3A_43 : i32
    "tpu.region"() ({
      %run_scoped3A = tpu.sem_alloc : memref<!tpu.dma_semaphore, #tpu.memory_space<semaphore_mem>>
      %dma_start3A = arith.constant 0 : i32
      %dma_start3A_49 = tpu.memref_slice %arg13[%add3A_44, %dma_start3A] : memref<10240x128xf32, #tpu.memory_space<vmem_shared>> -> memref<128x128xf32, #tpu.memory_space<vmem_shared>>
      %dma_start3A_50 = arith.constant 0 : i32
      %dma_start3A_51 = tpu.memref_slice %arg13[%add3A_44, %dma_start3A_50] : memref<10240x128xf32, #tpu.memory_space<vmem_shared>> -> memref<128x128xf32, #tpu.memory_space<vmem_shared>>
      tpu.enqueue_dma source(%dma_start3A_51 : memref<128x128xf32, #tpu.memory_space<vmem_shared>>) target(%arg9 : memref<128x128xf32, #tpu.memory_space<vmem>>) target_semaphore(%run_scoped3A : memref<!tpu.dma_semaphore, #tpu.memory_space<semaphore_mem>>)
      %dma_wait3A = arith.constant 0 : i32
      %dma_wait3A_52 = tpu.memref_slice %arg13[%add3A_44, %dma_wait3A] : memref<10240x128xf32, #tpu.memory_space<vmem_shared>> -> memref<128x128xf32, #tpu.memory_space<vmem_shared>>
      %dma_wait3A_53 = arith.constant 0 : i32
      %dma_wait3A_54 = tpu.memref_slice %arg13[%add3A_44, %dma_wait3A_53] : memref<10240x128xf32, #tpu.memory_space<vmem_shared>> -> memref<128x128xf32, #tpu.memory_space<vmem_shared>>
      tpu.wait_dma2 semaphore(%run_scoped3A : memref<!tpu.dma_semaphore, #tpu.memory_space<semaphore_mem>>) src(%dma_wait3A_54 : memref<128x128xf32, #tpu.memory_space<vmem_shared>>) dst(%arg9 : memref<128x128xf32, #tpu.memory_space<vmem>>)
      tpu.yield
    }) : () -> ()
    "tpu.region"() ({
      %run_scoped3A = tpu.sem_alloc : memref<!tpu.dma_semaphore, #tpu.memory_space<semaphore_mem>>
      %dma_start3A = arith.constant 0 : i32
      %dma_start3A_49 = tpu.memref_slice %arg6[%arg0, %add3A_44, %dma_start3A] : memref<2x10240x128xf32, #tpu.memory_space<hbm>> -> memref<1x128x128xf32, #tpu.memory_space<hbm>>
      %dma_start3A_50 = tpu.memref_squeeze %dma_start3A_49 : memref<1x128x128xf32, #tpu.memory_space<hbm>> -> memref<128x128xf32, #tpu.memory_space<hbm>>
      %dma_start3A_51 = arith.constant 0 : i32
      %dma_start3A_52 = tpu.memref_slice %arg6[%arg0, %add3A_44, %dma_start3A_51] : memref<2x10240x128xf32, #tpu.memory_space<hbm>> -> memref<1x128x128xf32, #tpu.memory_space<hbm>>
      %dma_start3A_53 = tpu.memref_squeeze %dma_start3A_52 : memref<1x128x128xf32, #tpu.memory_space<hbm>> -> memref<128x128xf32, #tpu.memory_space<hbm>>
      tpu.enqueue_dma source(%arg9 : memref<128x128xf32, #tpu.memory_space<vmem>>) target(%dma_start3A_53 : memref<128x128xf32, #tpu.memory_space<hbm>>) target_semaphore(%run_scoped3A : memref<!tpu.dma_semaphore, #tpu.memory_space<semaphore_mem>>)
      %dma_wait3A = arith.constant 0 : i32
      %dma_wait3A_54 = tpu.memref_slice %arg6[%arg0, %add3A_44, %dma_wait3A] : memref<2x10240x128xf32, #tpu.memory_space<hbm>> -> memref<1x128x128xf32, #tpu.memory_space<hbm>>
      %dma_wait3A_55 = tpu.memref_squeeze %dma_wait3A_54 : memref<1x128x128xf32, #tpu.memory_space<hbm>> -> memref<128x128xf32, #tpu.memory_space<hbm>>
      %dma_wait3A_56 = arith.constant 0 : i32
      %dma_wait3A_57 = tpu.memref_slice %arg6[%arg0, %add3A_44, %dma_wait3A_56] : memref<2x10240x128xf32, #tpu.memory_space<hbm>> -> memref<1x128x128xf32, #tpu.memory_space<hbm>>
      %dma_wait3A_58 = tpu.memref_squeeze %dma_wait3A_57 : memref<1x128x128xf32, #tpu.memory_space<hbm>> -> memref<128x128xf32, #tpu.memory_space<hbm>>
      tpu.wait_dma2 semaphore(%run_scoped3A : memref<!tpu.dma_semaphore, #tpu.memory_space<semaphore_mem>>) src(%arg9 : memref<128x128xf32, #tpu.memory_space<vmem>>) dst(%dma_wait3A_58 : memref<128x128xf32, #tpu.memory_space<hbm>>)
      tpu.yield
    }) : () -> ()
    %mul3A_45 = arith.constant 640 : i32
    %mul3A_46 = arith.muli %arg1, %mul3A_45 : i32
    %add3A_47 = arith.constant 512 : i32
    %add3A_48 = arith.addi %mul3A_46, %add3A_47 : i32
    "tpu.region"() ({
      %run_scoped3A = tpu.sem_alloc : memref<!tpu.dma_semaphore, #tpu.memory_space<semaphore_mem>>
      %dma_start3A = arith.constant 0 : i32
      %dma_start3A_49 = tpu.memref_slice %arg13[%add3A_48, %dma_start3A] : memref<10240x128xf32, #tpu.memory_space<vmem_shared>> -> memref<128x128xf32, #tpu.memory_space<vmem_shared>>
      %dma_start3A_50 = arith.constant 0 : i32
      %dma_start3A_51 = tpu.memref_slice %arg13[%add3A_48, %dma_start3A_50] : memref<10240x128xf32, #tpu.memory_space<vmem_shared>> -> memref<128x128xf32, #tpu.memory_space<vmem_shared>>
      tpu.enqueue_dma source(%dma_start3A_51 : memref<128x128xf32, #tpu.memory_space<vmem_shared>>) target(%arg9 : memref<128x128xf32, #tpu.memory_space<vmem>>) target_semaphore(%run_scoped3A : memref<!tpu.dma_semaphore, #tpu.memory_space<semaphore_mem>>)
      %dma_wait3A = arith.constant 0 : i32
      %dma_wait3A_52 = tpu.memref_slice %arg13[%add3A_48, %dma_wait3A] : memref<10240x128xf32, #tpu.memory_space<vmem_shared>> -> memref<128x128xf32, #tpu.memory_space<vmem_shared>>
      %dma_wait3A_53 = arith.constant 0 : i32
      %dma_wait3A_54 = tpu.memref_slice %arg13[%add3A_48, %dma_wait3A_53] : memref<10240x128xf32, #tpu.memory_space<vmem_shared>> -> memref<128x128xf32, #tpu.memory_space<vmem_shared>>
      tpu.wait_dma2 semaphore(%run_scoped3A : memref<!tpu.dma_semaphore, #tpu.memory_space<semaphore_mem>>) src(%dma_wait3A_54 : memref<128x128xf32, #tpu.memory_space<vmem_shared>>) dst(%arg9 : memref<128x128xf32, #tpu.memory_space<vmem>>)
      tpu.yield
    }) : () -> ()
    "tpu.region"() ({
      %run_scoped3A = tpu.sem_alloc : memref<!tpu.dma_semaphore, #tpu.memory_space<semaphore_mem>>
      %dma_start3A = arith.constant 0 : i32
      %dma_start3A_49 = tpu.memref_slice %arg6[%arg0, %add3A_48, %dma_start3A] : memref<2x10240x128xf32, #tpu.memory_space<hbm>> -> memref<1x128x128xf32, #tpu.memory_space<hbm>>
      %dma_start3A_50 = tpu.memref_squeeze %dma_start3A_49 : memref<1x128x128xf32, #tpu.memory_space<hbm>> -> memref<128x128xf32, #tpu.memory_space<hbm>>
      %dma_start3A_51 = arith.constant 0 : i32
      %dma_start3A_52 = tpu.memref_slice %arg6[%arg0, %add3A_48, %dma_start3A_51] : memref<2x10240x128xf32, #tpu.memory_space<hbm>> -> memref<1x128x128xf32, #tpu.memory_space<hbm>>
      %dma_start3A_53 = tpu.memref_squeeze %dma_start3A_52 : memref<1x128x128xf32, #tpu.memory_space<hbm>> -> memref<128x128xf32, #tpu.memory_space<hbm>>
      tpu.enqueue_dma source(%arg9 : memref<128x128xf32, #tpu.memory_space<vmem>>) target(%dma_start3A_53 : memref<128x128xf32, #tpu.memory_space<hbm>>) target_semaphore(%run_scoped3A : memref<!tpu.dma_semaphore, #tpu.memory_space<semaphore_mem>>)
      %dma_wait3A = arith.constant 0 : i32
      %dma_wait3A_54 = tpu.memref_slice %arg6[%arg0, %add3A_48, %dma_wait3A] : memref<2x10240x128xf32, #tpu.memory_space<hbm>> -> memref<1x128x128xf32, #tpu.memory_space<hbm>>
      %dma_wait3A_55 = tpu.memref_squeeze %dma_wait3A_54 : memref<1x128x128xf32, #tpu.memory_space<hbm>> -> memref<128x128xf32, #tpu.memory_space<hbm>>
      %dma_wait3A_56 = arith.constant 0 : i32
      %dma_wait3A_57 = tpu.memref_slice %arg6[%arg0, %add3A_48, %dma_wait3A_56] : memref<2x10240x128xf32, #tpu.memory_space<hbm>> -> memref<1x128x128xf32, #tpu.memory_space<hbm>>
      %dma_wait3A_58 = tpu.memref_squeeze %dma_wait3A_57 : memref<1x128x128xf32, #tpu.memory_space<hbm>> -> memref<128x128xf32, #tpu.memory_space<hbm>>
      tpu.wait_dma2 semaphore(%run_scoped3A : memref<!tpu.dma_semaphore, #tpu.memory_space<semaphore_mem>>) src(%arg9 : memref<128x128xf32, #tpu.memory_space<vmem>>) dst(%dma_wait3A_58 : memref<128x128xf32, #tpu.memory_space<hbm>>)
      tpu.yield
    }) : () -> ()
    return
  }
}

#map = affine_map<(d0, d1) -> (0, 0)>
#map1 = affine_map<(d0, d1) -> (0)>
module attributes {stable_mosaic.version = 14 : i64} {
  func.func @_deg_body(%arg0: i32, %arg1: i32, %arg2: memref<2560x128xi32, #tpu.memory_space<hbm>>, %arg3: memref<128xf32, #tpu.memory_space<hbm>>, %arg4: memref<640xf32, #tpu.memory_space<hbm>>, %arg5: memref<2x10240xf32, #tpu.memory_space<hbm>>, %arg6: memref<80x128xi32, #tpu.memory_space<vmem>>, %arg7: memref<128xf32, #tpu.memory_space<vmem>>, %arg8: memref<640xf32, #tpu.memory_space<vmem>>, %arg9: memref<10240xf32, #tpu.memory_space<vmem_shared>>) attributes {dimension_semantics = [#tpu.dimension_semantics<core_parallel>, #tpu.dimension_semantics<subcore_parallel>], iteration_bounds = array<i64: 2, 16>, scalar_prefetch = 0 : i64, scratch_operands = 4 : i64, tpu.core_type = #tpu.core_type<sc_vector_subcore>, window_params = [{transform_indices = #map}, {transform_indices = #map1}, {transform_indices = #map1}, {transform_indices = #map}]} {
    %mul3A = arith.constant 16 : i32
    %mul3A_0 = arith.muli %arg0, %mul3A : i32
    %add3A = arith.addi %mul3A_0, %arg1 : i32
    "tpu.region"() ({
      %run_scoped3A = tpu.sem_alloc : memref<!tpu.dma_semaphore, #tpu.memory_space<semaphore_mem>>
      tpu.enqueue_dma source(%arg3 : memref<128xf32, #tpu.memory_space<hbm>>) target(%arg7 : memref<128xf32, #tpu.memory_space<vmem>>) target_semaphore(%run_scoped3A : memref<!tpu.dma_semaphore, #tpu.memory_space<semaphore_mem>>)
      tpu.wait_dma2 semaphore(%run_scoped3A : memref<!tpu.dma_semaphore, #tpu.memory_space<semaphore_mem>>) src(%arg3 : memref<128xf32, #tpu.memory_space<hbm>>) dst(%arg7 : memref<128xf32, #tpu.memory_space<vmem>>)
      tpu.yield
    }) : () -> ()
    "tpu.region"() ({
      %run_scoped3A = tpu.sem_alloc : memref<!tpu.dma_semaphore, #tpu.memory_space<semaphore_mem>>
      tpu.enqueue_dma source(%arg4 : memref<640xf32, #tpu.memory_space<hbm>>) target(%arg8 : memref<640xf32, #tpu.memory_space<vmem>>) target_semaphore(%run_scoped3A : memref<!tpu.dma_semaphore, #tpu.memory_space<semaphore_mem>>)
      tpu.wait_dma2 semaphore(%run_scoped3A : memref<!tpu.dma_semaphore, #tpu.memory_space<semaphore_mem>>) src(%arg4 : memref<640xf32, #tpu.memory_space<hbm>>) dst(%arg8 : memref<640xf32, #tpu.memory_space<vmem>>)
      tpu.yield
    }) : () -> ()
    %mul3A_1 = arith.constant 640 : i32
    %mul3A_2 = arith.muli %arg1, %mul3A_1 : i32
    "tpu.region"() ({
      %run_scoped3A = tpu.sem_alloc : memref<!tpu.dma_semaphore, #tpu.memory_space<semaphore_mem>>
      %dma_start3A = tpu.memref_slice %arg9[%mul3A_2] : memref<10240xf32, #tpu.memory_space<vmem_shared>> -> memref<640xf32, #tpu.memory_space<vmem_shared>>
      %dma_start3A_15 = tpu.memref_slice %arg9[%mul3A_2] : memref<10240xf32, #tpu.memory_space<vmem_shared>> -> memref<640xf32, #tpu.memory_space<vmem_shared>>
      tpu.enqueue_dma source(%arg8 : memref<640xf32, #tpu.memory_space<vmem>>) target(%dma_start3A_15 : memref<640xf32, #tpu.memory_space<vmem_shared>>) target_semaphore(%run_scoped3A : memref<!tpu.dma_semaphore, #tpu.memory_space<semaphore_mem>>)
      %dma_wait3A = tpu.memref_slice %arg9[%mul3A_2] : memref<10240xf32, #tpu.memory_space<vmem_shared>> -> memref<640xf32, #tpu.memory_space<vmem_shared>>
      %dma_wait3A_16 = tpu.memref_slice %arg9[%mul3A_2] : memref<10240xf32, #tpu.memory_space<vmem_shared>> -> memref<640xf32, #tpu.memory_space<vmem_shared>>
      tpu.wait_dma2 semaphore(%run_scoped3A : memref<!tpu.dma_semaphore, #tpu.memory_space<semaphore_mem>>) src(%arg8 : memref<640xf32, #tpu.memory_space<vmem>>) dst(%dma_wait3A_16 : memref<640xf32, #tpu.memory_space<vmem_shared>>)
      tpu.yield
    }) : () -> ()
    %mul3A_3 = arith.constant 80 : i32
    %mul3A_4 = arith.muli %add3A, %mul3A_3 : i32
    "tpu.region"() ({
      %run_scoped3A = tpu.sem_alloc : memref<!tpu.dma_semaphore, #tpu.memory_space<semaphore_mem>>
      %dma_start3A = arith.constant 0 : i32
      %dma_start3A_15 = tpu.memref_slice %arg2[%mul3A_4, %dma_start3A] : memref<2560x128xi32, #tpu.memory_space<hbm>> -> memref<80x128xi32, #tpu.memory_space<hbm>>
      %dma_start3A_16 = arith.constant 0 : i32
      %dma_start3A_17 = tpu.memref_slice %arg2[%mul3A_4, %dma_start3A_16] : memref<2560x128xi32, #tpu.memory_space<hbm>> -> memref<80x128xi32, #tpu.memory_space<hbm>>
      tpu.enqueue_dma source(%dma_start3A_17 : memref<80x128xi32, #tpu.memory_space<hbm>>) target(%arg6 : memref<80x128xi32, #tpu.memory_space<vmem>>) target_semaphore(%run_scoped3A : memref<!tpu.dma_semaphore, #tpu.memory_space<semaphore_mem>>)
      %dma_wait3A = arith.constant 0 : i32
      %dma_wait3A_18 = tpu.memref_slice %arg2[%mul3A_4, %dma_wait3A] : memref<2560x128xi32, #tpu.memory_space<hbm>> -> memref<80x128xi32, #tpu.memory_space<hbm>>
      %dma_wait3A_19 = arith.constant 0 : i32
      %dma_wait3A_20 = tpu.memref_slice %arg2[%mul3A_4, %dma_wait3A_19] : memref<2560x128xi32, #tpu.memory_space<hbm>> -> memref<80x128xi32, #tpu.memory_space<hbm>>
      tpu.wait_dma2 semaphore(%run_scoped3A : memref<!tpu.dma_semaphore, #tpu.memory_space<semaphore_mem>>) src(%dma_wait3A_20 : memref<80x128xi32, #tpu.memory_space<hbm>>) dst(%arg6 : memref<80x128xi32, #tpu.memory_space<vmem>>)
      tpu.yield
    }) : () -> ()
    %barrier3A = arith.constant 0 : index
    tpu.barrier barrier_id(%barrier3A)
    %scan3A = arith.constant 0 : i32
    %scan3A_5 = arith.constant 0 : i32
    %scan3A_6 = arith.constant 80 : i32
    %scan3A_7 = arith.addi %scan3A_5, %scan3A_6 : i32
    %scan3A_8 = arith.constant 1 : i32
    scf.for %scan3A_15 = %scan3A_5 to %scan3A_7 step %scan3A_8  : i32 {
      "tpu.region"() ({
        %run_scoped3A = tpu.sem_alloc : memref<!tpu.dma_semaphore, #tpu.memory_space<semaphore_mem>>
        %dma_start3A = arith.constant 0 : i32
        %dma_start3A_16 = tpu.memref_slice %arg6[%scan3A_15, %dma_start3A] : memref<80x128xi32, #tpu.memory_space<vmem>> -> memref<1x128xi32, #tpu.memory_space<vmem>>
        %dma_start3A_17 = tpu.memref_squeeze %dma_start3A_16 : memref<1x128xi32, #tpu.memory_space<vmem>> -> memref<128xi32, #tpu.memory_space<vmem>>
        %dma_start3A_18 = arith.constant 0 : i32
        %dma_start3A_19 = tpu.memref_slice %arg9[%dma_start3A_18] : memref<10240xf32, #tpu.memory_space<vmem_shared>> -> memref<10240xf32, #tpu.memory_space<vmem_shared>>
        tpu.enqueue_indirect_dma source(%arg7 : memref<128xf32, #tpu.memory_space<vmem>>) target(%dma_start3A_19 : memref<10240xf32, #tpu.memory_space<vmem_shared>>) offsets(%dma_start3A_17 : memref<128xi32, #tpu.memory_space<vmem>>) semaphore(%run_scoped3A : memref<!tpu.dma_semaphore, #tpu.memory_space<semaphore_mem>>) {add = true}
        %dma_wait3A = arith.constant 0 : i32
        %dma_wait3A_20 = tpu.memref_slice %arg6[%scan3A_15, %dma_wait3A] : memref<80x128xi32, #tpu.memory_space<vmem>> -> memref<1x128xi32, #tpu.memory_space<vmem>>
        %dma_wait3A_21 = tpu.memref_squeeze %dma_wait3A_20 : memref<1x128xi32, #tpu.memory_space<vmem>> -> memref<128xi32, #tpu.memory_space<vmem>>
        %dma_wait3A_22 = arith.constant 0 : i32
        %dma_wait3A_23 = tpu.memref_slice %arg9[%dma_wait3A_22] : memref<10240xf32, #tpu.memory_space<vmem_shared>> -> memref<10240xf32, #tpu.memory_space<vmem_shared>>
        tpu.wait_indirect_dma semaphore(%run_scoped3A : memref<!tpu.dma_semaphore, #tpu.memory_space<semaphore_mem>>) src(%arg7 : memref<128xf32, #tpu.memory_space<vmem>>) dst(%dma_wait3A_23 : memref<10240xf32, #tpu.memory_space<vmem_shared>>)
        tpu.yield
      }) : () -> ()
    }
    %scan3A_9 = arith.constant 80 : i32
    %barrier3A_10 = arith.constant 0 : index
    tpu.barrier barrier_id(%barrier3A_10)
    %mul3A_11 = arith.constant 640 : i32
    %mul3A_12 = arith.muli %arg1, %mul3A_11 : i32
    "tpu.region"() ({
      %run_scoped3A = tpu.sem_alloc : memref<!tpu.dma_semaphore, #tpu.memory_space<semaphore_mem>>
      %dma_start3A = tpu.memref_slice %arg9[%mul3A_12] : memref<10240xf32, #tpu.memory_space<vmem_shared>> -> memref<640xf32, #tpu.memory_space<vmem_shared>>
      %dma_start3A_15 = tpu.memref_slice %arg9[%mul3A_12] : memref<10240xf32, #tpu.memory_space<vmem_shared>> -> memref<640xf32, #tpu.memory_space<vmem_shared>>
      tpu.enqueue_dma source(%dma_start3A_15 : memref<640xf32, #tpu.memory_space<vmem_shared>>) target(%arg8 : memref<640xf32, #tpu.memory_space<vmem>>) target_semaphore(%run_scoped3A : memref<!tpu.dma_semaphore, #tpu.memory_space<semaphore_mem>>)
      %dma_wait3A = tpu.memref_slice %arg9[%mul3A_12] : memref<10240xf32, #tpu.memory_space<vmem_shared>> -> memref<640xf32, #tpu.memory_space<vmem_shared>>
      %dma_wait3A_16 = tpu.memref_slice %arg9[%mul3A_12] : memref<10240xf32, #tpu.memory_space<vmem_shared>> -> memref<640xf32, #tpu.memory_space<vmem_shared>>
      tpu.wait_dma2 semaphore(%run_scoped3A : memref<!tpu.dma_semaphore, #tpu.memory_space<semaphore_mem>>) src(%dma_wait3A_16 : memref<640xf32, #tpu.memory_space<vmem_shared>>) dst(%arg8 : memref<640xf32, #tpu.memory_space<vmem>>)
      tpu.yield
    }) : () -> ()
    %mul3A_13 = arith.constant 640 : i32
    %mul3A_14 = arith.muli %arg1, %mul3A_13 : i32
    "tpu.region"() ({
      %run_scoped3A = tpu.sem_alloc : memref<!tpu.dma_semaphore, #tpu.memory_space<semaphore_mem>>
      %dma_start3A = tpu.memref_slice %arg5[%arg0, %mul3A_14] : memref<2x10240xf32, #tpu.memory_space<hbm>> -> memref<1x640xf32, #tpu.memory_space<hbm>>
      %dma_start3A_15 = tpu.memref_squeeze %dma_start3A : memref<1x640xf32, #tpu.memory_space<hbm>> -> memref<640xf32, #tpu.memory_space<hbm>>
      %dma_start3A_16 = tpu.memref_slice %arg5[%arg0, %mul3A_14] : memref<2x10240xf32, #tpu.memory_space<hbm>> -> memref<1x640xf32, #tpu.memory_space<hbm>>
      %dma_start3A_17 = tpu.memref_squeeze %dma_start3A_16 : memref<1x640xf32, #tpu.memory_space<hbm>> -> memref<640xf32, #tpu.memory_space<hbm>>
      tpu.enqueue_dma source(%arg8 : memref<640xf32, #tpu.memory_space<vmem>>) target(%dma_start3A_17 : memref<640xf32, #tpu.memory_space<hbm>>) target_semaphore(%run_scoped3A : memref<!tpu.dma_semaphore, #tpu.memory_space<semaphore_mem>>)
      %dma_wait3A = tpu.memref_slice %arg5[%arg0, %mul3A_14] : memref<2x10240xf32, #tpu.memory_space<hbm>> -> memref<1x640xf32, #tpu.memory_space<hbm>>
      %dma_wait3A_18 = tpu.memref_squeeze %dma_wait3A : memref<1x640xf32, #tpu.memory_space<hbm>> -> memref<640xf32, #tpu.memory_space<hbm>>
      %dma_wait3A_19 = tpu.memref_slice %arg5[%arg0, %mul3A_14] : memref<2x10240xf32, #tpu.memory_space<hbm>> -> memref<1x640xf32, #tpu.memory_space<hbm>>
      %dma_wait3A_20 = tpu.memref_squeeze %dma_wait3A_19 : memref<1x640xf32, #tpu.memory_space<hbm>> -> memref<640xf32, #tpu.memory_space<hbm>>
      tpu.wait_dma2 semaphore(%run_scoped3A : memref<!tpu.dma_semaphore, #tpu.memory_space<semaphore_mem>>) src(%arg8 : memref<640xf32, #tpu.memory_space<vmem>>) dst(%dma_wait3A_20 : memref<640xf32, #tpu.memory_space<hbm>>)
      tpu.yield
    }) : () -> ()
    return
  }
}

#map = affine_map<(d0, d1) -> (0, 0)>
#map1 = affine_map<(d0, d1) -> (0, 0, 0)>
module attributes {stable_mosaic.version = 14 : i64} {
  func.func @_agg_body(%arg0: i32, %arg1: i32, %arg2: memref<10240x128xf32, #tpu.memory_space<hbm>>, %arg3: memref<2560x128xi32, #tpu.memory_space<hbm>>, %arg4: memref<2560x128xi32, #tpu.memory_space<hbm>>, %arg5: memref<128x128xf32, #tpu.memory_space<hbm>>, %arg6: memref<2x10240x128xf32, #tpu.memory_space<hbm>>, %arg7: memref<40x128xi32, #tpu.memory_space<vmem>>, %arg8: memref<40x128xi32, #tpu.memory_space<vmem>>, %arg9: memref<128x128xf32, #tpu.memory_space<vmem>>, %arg10: memref<128x128xf32, #tpu.memory_space<vmem>>, %arg11: memref<!tpu.dma_semaphore, #tpu.memory_space<semaphore_mem>>, %arg12: memref<!tpu.dma_semaphore, #tpu.memory_space<semaphore_mem>>, %arg13: memref<10240x128xf32, #tpu.memory_space<vmem_shared>>) attributes {dimension_semantics = [#tpu.dimension_semantics<core_parallel>, #tpu.dimension_semantics<subcore_parallel>], iteration_bounds = array<i64: 2, 16>, scalar_prefetch = 0 : i64, scratch_operands = 7 : i64, tpu.core_type = #tpu.core_type<sc_vector_subcore>, window_params = [{transform_indices = #map}, {transform_indices = #map}, {transform_indices = #map}, {transform_indices = #map}, {transform_indices = #map1}]} {
    %mul3A = arith.constant 16 : i32
    %mul3A_0 = arith.muli %arg0, %mul3A : i32
    %add3A = arith.addi %mul3A_0, %arg1 : i32
    %mul3A_1 = arith.constant 80 : i32
    %mul3A_2 = arith.muli %add3A, %mul3A_1 : i32
    "tpu.region"() ({
      %run_scoped3A = tpu.sem_alloc : memref<!tpu.dma_semaphore, #tpu.memory_space<semaphore_mem>>
      tpu.enqueue_dma source(%arg5 : memref<128x128xf32, #tpu.memory_space<hbm>>) target(%arg9 : memref<128x128xf32, #tpu.memory_space<vmem>>) target_semaphore(%run_scoped3A : memref<!tpu.dma_semaphore, #tpu.memory_space<semaphore_mem>>)
      tpu.wait_dma2 semaphore(%run_scoped3A : memref<!tpu.dma_semaphore, #tpu.memory_space<semaphore_mem>>) src(%arg5 : memref<128x128xf32, #tpu.memory_space<hbm>>) dst(%arg9 : memref<128x128xf32, #tpu.memory_space<vmem>>)
      tpu.yield
    }) : () -> ()
    %mul3A_3 = arith.constant 640 : i32
    %mul3A_4 = arith.muli %arg1, %mul3A_3 : i32
    %add3A_5 = arith.constant 0 : i32
    %add3A_6 = arith.addi %mul3A_4, %add3A_5 : i32
    "tpu.region"() ({
      %run_scoped3A = tpu.sem_alloc : memref<!tpu.dma_semaphore, #tpu.memory_space<semaphore_mem>>
      %dma_start3A = arith.constant 0 : i32
      %dma_start3A_49 = tpu.memref_slice %arg13[%add3A_6, %dma_start3A] : memref<10240x128xf32, #tpu.memory_space<vmem_shared>> -> memref<128x128xf32, #tpu.memory_space<vmem_shared>>
      %dma_start3A_50 = arith.constant 0 : i32
      %dma_start3A_51 = tpu.memref_slice %arg13[%add3A_6, %dma_start3A_50] : memref<10240x128xf32, #tpu.memory_space<vmem_shared>> -> memref<128x128xf32, #tpu.memory_space<vmem_shared>>
      tpu.enqueue_dma source(%arg9 : memref<128x128xf32, #tpu.memory_space<vmem>>) target(%dma_start3A_51 : memref<128x128xf32, #tpu.memory_space<vmem_shared>>) target_semaphore(%run_scoped3A : memref<!tpu.dma_semaphore, #tpu.memory_space<semaphore_mem>>)
      %dma_wait3A = arith.constant 0 : i32
      %dma_wait3A_52 = tpu.memref_slice %arg13[%add3A_6, %dma_wait3A] : memref<10240x128xf32, #tpu.memory_space<vmem_shared>> -> memref<128x128xf32, #tpu.memory_space<vmem_shared>>
      %dma_wait3A_53 = arith.constant 0 : i32
      %dma_wait3A_54 = tpu.memref_slice %arg13[%add3A_6, %dma_wait3A_53] : memref<10240x128xf32, #tpu.memory_space<vmem_shared>> -> memref<128x128xf32, #tpu.memory_space<vmem_shared>>
      tpu.wait_dma2 semaphore(%run_scoped3A : memref<!tpu.dma_semaphore, #tpu.memory_space<semaphore_mem>>) src(%arg9 : memref<128x128xf32, #tpu.memory_space<vmem>>) dst(%dma_wait3A_54 : memref<128x128xf32, #tpu.memory_space<vmem_shared>>)
      tpu.yield
    }) : () -> ()
    %mul3A_7 = arith.constant 640 : i32
    %mul3A_8 = arith.muli %arg1, %mul3A_7 : i32
    %add3A_9 = arith.constant 128 : i32
    %add3A_10 = arith.addi %mul3A_8, %add3A_9 : i32
    "tpu.region"() ({
      %run_scoped3A = tpu.sem_alloc : memref<!tpu.dma_semaphore, #tpu.memory_space<semaphore_mem>>
      %dma_start3A = arith.constant 0 : i32
      %dma_start3A_49 = tpu.memref_slice %arg13[%add3A_10, %dma_start3A] : memref<10240x128xf32, #tpu.memory_space<vmem_shared>> -> memref<128x128xf32, #tpu.memory_space<vmem_shared>>
      %dma_start3A_50 = arith.constant 0 : i32
      %dma_start3A_51 = tpu.memref_slice %arg13[%add3A_10, %dma_start3A_50] : memref<10240x128xf32, #tpu.memory_space<vmem_shared>> -> memref<128x128xf32, #tpu.memory_space<vmem_shared>>
      tpu.enqueue_dma source(%arg9 : memref<128x128xf32, #tpu.memory_space<vmem>>) target(%dma_start3A_51 : memref<128x128xf32, #tpu.memory_space<vmem_shared>>) target_semaphore(%run_scoped3A : memref<!tpu.dma_semaphore, #tpu.memory_space<semaphore_mem>>)
      %dma_wait3A = arith.constant 0 : i32
      %dma_wait3A_52 = tpu.memref_slice %arg13[%add3A_10, %dma_wait3A] : memref<10240x128xf32, #tpu.memory_space<vmem_shared>> -> memref<128x128xf32, #tpu.memory_space<vmem_shared>>
      %dma_wait3A_53 = arith.constant 0 : i32
      %dma_wait3A_54 = tpu.memref_slice %arg13[%add3A_10, %dma_wait3A_53] : memref<10240x128xf32, #tpu.memory_space<vmem_shared>> -> memref<128x128xf32, #tpu.memory_space<vmem_shared>>
      tpu.wait_dma2 semaphore(%run_scoped3A : memref<!tpu.dma_semaphore, #tpu.memory_space<semaphore_mem>>) src(%arg9 : memref<128x128xf32, #tpu.memory_space<vmem>>) dst(%dma_wait3A_54 : memref<128x128xf32, #tpu.memory_space<vmem_shared>>)
      tpu.yield
    }) : () -> ()
    %mul3A_11 = arith.constant 640 : i32
    %mul3A_12 = arith.muli %arg1, %mul3A_11 : i32
    %add3A_13 = arith.constant 256 : i32
    %add3A_14 = arith.addi %mul3A_12, %add3A_13 : i32
    "tpu.region"() ({
      %run_scoped3A = tpu.sem_alloc : memref<!tpu.dma_semaphore, #tpu.memory_space<semaphore_mem>>
      %dma_start3A = arith.constant 0 : i32
      %dma_start3A_49 = tpu.memref_slice %arg13[%add3A_14, %dma_start3A] : memref<10240x128xf32, #tpu.memory_space<vmem_shared>> -> memref<128x128xf32, #tpu.memory_space<vmem_shared>>
      %dma_start3A_50 = arith.constant 0 : i32
      %dma_start3A_51 = tpu.memref_slice %arg13[%add3A_14, %dma_start3A_50] : memref<10240x128xf32, #tpu.memory_space<vmem_shared>> -> memref<128x128xf32, #tpu.memory_space<vmem_shared>>
      tpu.enqueue_dma source(%arg9 : memref<128x128xf32, #tpu.memory_space<vmem>>) target(%dma_start3A_51 : memref<128x128xf32, #tpu.memory_space<vmem_shared>>) target_semaphore(%run_scoped3A : memref<!tpu.dma_semaphore, #tpu.memory_space<semaphore_mem>>)
      %dma_wait3A = arith.constant 0 : i32
      %dma_wait3A_52 = tpu.memref_slice %arg13[%add3A_14, %dma_wait3A] : memref<10240x128xf32, #tpu.memory_space<vmem_shared>> -> memref<128x128xf32, #tpu.memory_space<vmem_shared>>
      %dma_wait3A_53 = arith.constant 0 : i32
      %dma_wait3A_54 = tpu.memref_slice %arg13[%add3A_14, %dma_wait3A_53] : memref<10240x128xf32, #tpu.memory_space<vmem_shared>> -> memref<128x128xf32, #tpu.memory_space<vmem_shared>>
      tpu.wait_dma2 semaphore(%run_scoped3A : memref<!tpu.dma_semaphore, #tpu.memory_space<semaphore_mem>>) src(%arg9 : memref<128x128xf32, #tpu.memory_space<vmem>>) dst(%dma_wait3A_54 : memref<128x128xf32, #tpu.memory_space<vmem_shared>>)
      tpu.yield
    }) : () -> ()
    %mul3A_15 = arith.constant 640 : i32
    %mul3A_16 = arith.muli %arg1, %mul3A_15 : i32
    %add3A_17 = arith.constant 384 : i32
    %add3A_18 = arith.addi %mul3A_16, %add3A_17 : i32
    "tpu.region"() ({
      %run_scoped3A = tpu.sem_alloc : memref<!tpu.dma_semaphore, #tpu.memory_space<semaphore_mem>>
      %dma_start3A = arith.constant 0 : i32
      %dma_start3A_49 = tpu.memref_slice %arg13[%add3A_18, %dma_start3A] : memref<10240x128xf32, #tpu.memory_space<vmem_shared>> -> memref<128x128xf32, #tpu.memory_space<vmem_shared>>
      %dma_start3A_50 = arith.constant 0 : i32
      %dma_start3A_51 = tpu.memref_slice %arg13[%add3A_18, %dma_start3A_50] : memref<10240x128xf32, #tpu.memory_space<vmem_shared>> -> memref<128x128xf32, #tpu.memory_space<vmem_shared>>
      tpu.enqueue_dma source(%arg9 : memref<128x128xf32, #tpu.memory_space<vmem>>) target(%dma_start3A_51 : memref<128x128xf32, #tpu.memory_space<vmem_shared>>) target_semaphore(%run_scoped3A : memref<!tpu.dma_semaphore, #tpu.memory_space<semaphore_mem>>)
      %dma_wait3A = arith.constant 0 : i32
      %dma_wait3A_52 = tpu.memref_slice %arg13[%add3A_18, %dma_wait3A] : memref<10240x128xf32, #tpu.memory_space<vmem_shared>> -> memref<128x128xf32, #tpu.memory_space<vmem_shared>>
      %dma_wait3A_53 = arith.constant 0 : i32
      %dma_wait3A_54 = tpu.memref_slice %arg13[%add3A_18, %dma_wait3A_53] : memref<10240x128xf32, #tpu.memory_space<vmem_shared>> -> memref<128x128xf32, #tpu.memory_space<vmem_shared>>
      tpu.wait_dma2 semaphore(%run_scoped3A : memref<!tpu.dma_semaphore, #tpu.memory_space<semaphore_mem>>) src(%arg9 : memref<128x128xf32, #tpu.memory_space<vmem>>) dst(%dma_wait3A_54 : memref<128x128xf32, #tpu.memory_space<vmem_shared>>)
      tpu.yield
    }) : () -> ()
    %mul3A_19 = arith.constant 640 : i32
    %mul3A_20 = arith.muli %arg1, %mul3A_19 : i32
    %add3A_21 = arith.constant 512 : i32
    %add3A_22 = arith.addi %mul3A_20, %add3A_21 : i32
    "tpu.region"() ({
      %run_scoped3A = tpu.sem_alloc : memref<!tpu.dma_semaphore, #tpu.memory_space<semaphore_mem>>
      %dma_start3A = arith.constant 0 : i32
      %dma_start3A_49 = tpu.memref_slice %arg13[%add3A_22, %dma_start3A] : memref<10240x128xf32, #tpu.memory_space<vmem_shared>> -> memref<128x128xf32, #tpu.memory_space<vmem_shared>>
      %dma_start3A_50 = arith.constant 0 : i32
      %dma_start3A_51 = tpu.memref_slice %arg13[%add3A_22, %dma_start3A_50] : memref<10240x128xf32, #tpu.memory_space<vmem_shared>> -> memref<128x128xf32, #tpu.memory_space<vmem_shared>>
      tpu.enqueue_dma source(%arg9 : memref<128x128xf32, #tpu.memory_space<vmem>>) target(%dma_start3A_51 : memref<128x128xf32, #tpu.memory_space<vmem_shared>>) target_semaphore(%run_scoped3A : memref<!tpu.dma_semaphore, #tpu.memory_space<semaphore_mem>>)
      %dma_wait3A = arith.constant 0 : i32
      %dma_wait3A_52 = tpu.memref_slice %arg13[%add3A_22, %dma_wait3A] : memref<10240x128xf32, #tpu.memory_space<vmem_shared>> -> memref<128x128xf32, #tpu.memory_space<vmem_shared>>
      %dma_wait3A_53 = arith.constant 0 : i32
      %dma_wait3A_54 = tpu.memref_slice %arg13[%add3A_22, %dma_wait3A_53] : memref<10240x128xf32, #tpu.memory_space<vmem_shared>> -> memref<128x128xf32, #tpu.memory_space<vmem_shared>>
      tpu.wait_dma2 semaphore(%run_scoped3A : memref<!tpu.dma_semaphore, #tpu.memory_space<semaphore_mem>>) src(%arg9 : memref<128x128xf32, #tpu.memory_space<vmem>>) dst(%dma_wait3A_54 : memref<128x128xf32, #tpu.memory_space<vmem_shared>>)
      tpu.yield
    }) : () -> ()
    %barrier3A = arith.constant 0 : index
    tpu.barrier barrier_id(%barrier3A)
    %scan3A = arith.constant 0 : i32
    %scan3A_23 = arith.constant 0 : i32
    %scan3A_24 = arith.constant 2 : i32
    %scan3A_25 = arith.addi %scan3A_23, %scan3A_24 : i32
    %scan3A_26 = arith.constant 1 : i32
    scf.for %scan3A_49 = %scan3A_23 to %scan3A_25 step %scan3A_26  : i32 {
      %mul3A_50 = arith.constant 40 : i32
      %mul3A_51 = arith.muli %scan3A_49, %mul3A_50 : i32
      %add3A_52 = arith.addi %mul3A_2, %mul3A_51 : i32
      "tpu.region"() ({
        %run_scoped3A = tpu.sem_alloc : memref<!tpu.dma_semaphore, #tpu.memory_space<semaphore_mem>>
        %dma_start3A_71 = arith.constant 0 : i32
        %dma_start3A_72 = tpu.memref_slice %arg3[%add3A_52, %dma_start3A_71] : memref<2560x128xi32, #tpu.memory_space<hbm>> -> memref<40x128xi32, #tpu.memory_space<hbm>>
        %dma_start3A_73 = arith.constant 0 : i32
        %dma_start3A_74 = tpu.memref_slice %arg3[%add3A_52, %dma_start3A_73] : memref<2560x128xi32, #tpu.memory_space<hbm>> -> memref<40x128xi32, #tpu.memory_space<hbm>>
        tpu.enqueue_dma source(%dma_start3A_74 : memref<40x128xi32, #tpu.memory_space<hbm>>) target(%arg7 : memref<40x128xi32, #tpu.memory_space<vmem>>) target_semaphore(%run_scoped3A : memref<!tpu.dma_semaphore, #tpu.memory_space<semaphore_mem>>)
        %dma_wait3A_75 = arith.constant 0 : i32
        %dma_wait3A_76 = tpu.memref_slice %arg3[%add3A_52, %dma_wait3A_75] : memref<2560x128xi32, #tpu.memory_space<hbm>> -> memref<40x128xi32, #tpu.memory_space<hbm>>
        %dma_wait3A_77 = arith.constant 0 : i32
        %dma_wait3A_78 = tpu.memref_slice %arg3[%add3A_52, %dma_wait3A_77] : memref<2560x128xi32, #tpu.memory_space<hbm>> -> memref<40x128xi32, #tpu.memory_space<hbm>>
        tpu.wait_dma2 semaphore(%run_scoped3A : memref<!tpu.dma_semaphore, #tpu.memory_space<semaphore_mem>>) src(%dma_wait3A_78 : memref<40x128xi32, #tpu.memory_space<hbm>>) dst(%arg7 : memref<40x128xi32, #tpu.memory_space<vmem>>)
        tpu.yield
      }) : () -> ()
      "tpu.region"() ({
        %run_scoped3A = tpu.sem_alloc : memref<!tpu.dma_semaphore, #tpu.memory_space<semaphore_mem>>
        %dma_start3A_71 = arith.constant 0 : i32
        %dma_start3A_72 = tpu.memref_slice %arg4[%add3A_52, %dma_start3A_71] : memref<2560x128xi32, #tpu.memory_space<hbm>> -> memref<40x128xi32, #tpu.memory_space<hbm>>
        %dma_start3A_73 = arith.constant 0 : i32
        %dma_start3A_74 = tpu.memref_slice %arg4[%add3A_52, %dma_start3A_73] : memref<2560x128xi32, #tpu.memory_space<hbm>> -> memref<40x128xi32, #tpu.memory_space<hbm>>
        tpu.enqueue_dma source(%dma_start3A_74 : memref<40x128xi32, #tpu.memory_space<hbm>>) target(%arg8 : memref<40x128xi32, #tpu.memory_space<vmem>>) target_semaphore(%run_scoped3A : memref<!tpu.dma_semaphore, #tpu.memory_space<semaphore_mem>>)
        %dma_wait3A_75 = arith.constant 0 : i32
        %dma_wait3A_76 = tpu.memref_slice %arg4[%add3A_52, %dma_wait3A_75] : memref<2560x128xi32, #tpu.memory_space<hbm>> -> memref<40x128xi32, #tpu.memory_space<hbm>>
        %dma_wait3A_77 = arith.constant 0 : i32
        %dma_wait3A_78 = tpu.memref_slice %arg4[%add3A_52, %dma_wait3A_77] : memref<2560x128xi32, #tpu.memory_space<hbm>> -> memref<40x128xi32, #tpu.memory_space<hbm>>
        tpu.wait_dma2 semaphore(%run_scoped3A : memref<!tpu.dma_semaphore, #tpu.memory_space<semaphore_mem>>) src(%dma_wait3A_78 : memref<40x128xi32, #tpu.memory_space<hbm>>) dst(%arg8 : memref<40x128xi32, #tpu.memory_space<vmem>>)
        tpu.yield
      }) : () -> ()
      %dma_start3A = arith.constant 0 : i32
      %dma_start3A_53 = arith.constant 0 : i32
      %dma_start3A_54 = tpu.memref_slice %arg7[%dma_start3A, %dma_start3A_53] : memref<40x128xi32, #tpu.memory_space<vmem>> -> memref<1x128xi32, #tpu.memory_space<vmem>>
      %dma_start3A_55 = tpu.memref_squeeze %dma_start3A_54 : memref<1x128xi32, #tpu.memory_space<vmem>> -> memref<128xi32, #tpu.memory_space<vmem>>
      %dma_start3A_56 = arith.constant 0 : i32
      %dma_start3A_57 = arith.constant 0 : i32
      %dma_start3A_58 = tpu.memref_slice %arg2[%dma_start3A_56, %dma_start3A_57] : memref<10240x128xf32, #tpu.memory_space<hbm>> -> memref<10240x128xf32, #tpu.memory_space<hbm>>
      tpu.enqueue_indirect_dma source(%dma_start3A_58 : memref<10240x128xf32, #tpu.memory_space<hbm>>) target(%arg9 : memref<128x128xf32, #tpu.memory_space<vmem>>) offsets(%dma_start3A_55 : memref<128xi32, #tpu.memory_space<vmem>>) semaphore(%arg11 : memref<!tpu.dma_semaphore, #tpu.memory_space<semaphore_mem>>)
      %scan3A_59 = arith.constant 0 : i32
      %scan3A_60 = arith.constant 0 : i32
      %scan3A_61 = arith.constant 20 : i32
      %scan3A_62 = arith.addi %scan3A_60, %scan3A_61 : i32
      %scan3A_63 = arith.constant 1 : i32
      scf.for %scan3A_71 = %scan3A_60 to %scan3A_62 step %scan3A_63  : i32 {
        %mul3A_72 = arith.constant 2 : i32
        %mul3A_73 = arith.muli %mul3A_72, %scan3A_71 : i32
        %add3A_74 = arith.constant 2 : i32
        %add3A_75 = arith.addi %mul3A_73, %add3A_74 : i32
        %min3A = arith.constant 39 : i32
        %min3A_76 = arith.minsi %add3A_75, %min3A : i32
        %add3A_77 = arith.constant 1 : i32
        %add3A_78 = arith.addi %mul3A_73, %add3A_77 : i32
        %dma_start3A_79 = arith.constant 0 : i32
        %dma_start3A_80 = tpu.memref_slice %arg7[%add3A_78, %dma_start3A_79] : memref<40x128xi32, #tpu.memory_space<vmem>> -> memref<1x128xi32, #tpu.memory_space<vmem>>
        %dma_start3A_81 = tpu.memref_squeeze %dma_start3A_80 : memref<1x128xi32, #tpu.memory_space<vmem>> -> memref<128xi32, #tpu.memory_space<vmem>>
        %dma_start3A_82 = arith.constant 0 : i32
        %dma_start3A_83 = arith.constant 0 : i32
        %dma_start3A_84 = tpu.memref_slice %arg2[%dma_start3A_82, %dma_start3A_83] : memref<10240x128xf32, #tpu.memory_space<hbm>> -> memref<10240x128xf32, #tpu.memory_space<hbm>>
        tpu.enqueue_indirect_dma source(%dma_start3A_84 : memref<10240x128xf32, #tpu.memory_space<hbm>>) target(%arg10 : memref<128x128xf32, #tpu.memory_space<vmem>>) offsets(%dma_start3A_81 : memref<128xi32, #tpu.memory_space<vmem>>) semaphore(%arg12 : memref<!tpu.dma_semaphore, #tpu.memory_space<semaphore_mem>>)
        %dma_wait3A_85 = arith.constant 0 : i32
        %dma_wait3A_86 = arith.constant 0 : i32
        %dma_wait3A_87 = tpu.memref_slice %arg7[%dma_wait3A_85, %dma_wait3A_86] : memref<40x128xi32, #tpu.memory_space<vmem>> -> memref<1x128xi32, #tpu.memory_space<vmem>>
        %dma_wait3A_88 = tpu.memref_squeeze %dma_wait3A_87 : memref<1x128xi32, #tpu.memory_space<vmem>> -> memref<128xi32, #tpu.memory_space<vmem>>
        %dma_wait3A_89 = arith.constant 0 : i32
        %dma_wait3A_90 = arith.constant 0 : i32
        %dma_wait3A_91 = tpu.memref_slice %arg2[%dma_wait3A_89, %dma_wait3A_90] : memref<10240x128xf32, #tpu.memory_space<hbm>> -> memref<10240x128xf32, #tpu.memory_space<hbm>>
        tpu.wait_indirect_dma semaphore(%arg11 : memref<!tpu.dma_semaphore, #tpu.memory_space<semaphore_mem>>) src(%dma_wait3A_91 : memref<10240x128xf32, #tpu.memory_space<hbm>>) dst(%arg9 : memref<128x128xf32, #tpu.memory_space<vmem>>)
        "tpu.region"() ({
          %run_scoped3A = tpu.sem_alloc : memref<!tpu.dma_semaphore, #tpu.memory_space<semaphore_mem>>
          %dma_start3A_107 = arith.constant 0 : i32
          %dma_start3A_108 = tpu.memref_slice %arg8[%mul3A_73, %dma_start3A_107] : memref<40x128xi32, #tpu.memory_space<vmem>> -> memref<1x128xi32, #tpu.memory_space<vmem>>
          %dma_start3A_109 = tpu.memref_squeeze %dma_start3A_108 : memref<1x128xi32, #tpu.memory_space<vmem>> -> memref<128xi32, #tpu.memory_space<vmem>>
          %dma_start3A_110 = arith.constant 0 : i32
          %dma_start3A_111 = arith.constant 0 : i32
          %dma_start3A_112 = tpu.memref_slice %arg13[%dma_start3A_110, %dma_start3A_111] : memref<10240x128xf32, #tpu.memory_space<vmem_shared>> -> memref<10240x128xf32, #tpu.memory_space<vmem_shared>>
          tpu.enqueue_indirect_dma source(%arg9 : memref<128x128xf32, #tpu.memory_space<vmem>>) target(%dma_start3A_112 : memref<10240x128xf32, #tpu.memory_space<vmem_shared>>) offsets(%dma_start3A_109 : memref<128xi32, #tpu.memory_space<vmem>>) semaphore(%run_scoped3A : memref<!tpu.dma_semaphore, #tpu.memory_space<semaphore_mem>>) {add = true}
          %dma_wait3A_113 = arith.constant 0 : i32
          %dma_wait3A_114 = tpu.memref_slice %arg8[%mul3A_73, %dma_wait3A_113] : memref<40x128xi32, #tpu.memory_space<vmem>> -> memref<1x128xi32, #tpu.memory_space<vmem>>
          %dma_wait3A_115 = tpu.memref_squeeze %dma_wait3A_114 : memref<1x128xi32, #tpu.memory_space<vmem>> -> memref<128xi32, #tpu.memory_space<vmem>>
          %dma_wait3A_116 = arith.constant 0 : i32
          %dma_wait3A_117 = arith.constant 0 : i32
          %dma_wait3A_118 = tpu.memref_slice %arg13[%dma_wait3A_116, %dma_wait3A_117] : memref<10240x128xf32, #tpu.memory_space<vmem_shared>> -> memref<10240x128xf32, #tpu.memory_space<vmem_shared>>
          tpu.wait_indirect_dma semaphore(%run_scoped3A : memref<!tpu.dma_semaphore, #tpu.memory_space<semaphore_mem>>) src(%arg9 : memref<128x128xf32, #tpu.memory_space<vmem>>) dst(%dma_wait3A_118 : memref<10240x128xf32, #tpu.memory_space<vmem_shared>>)
          tpu.yield
        }) : () -> ()
        %dma_start3A_92 = arith.constant 0 : i32
        %dma_start3A_93 = tpu.memref_slice %arg7[%min3A_76, %dma_start3A_92] : memref<40x128xi32, #tpu.memory_space<vmem>> -> memref<1x128xi32, #tpu.memory_space<vmem>>
        %dma_start3A_94 = tpu.memref_squeeze %dma_start3A_93 : memref<1x128xi32, #tpu.memory_space<vmem>> -> memref<128xi32, #tpu.memory_space<vmem>>
        %dma_start3A_95 = arith.constant 0 : i32
        %dma_start3A_96 = arith.constant 0 : i32
        %dma_start3A_97 = tpu.memref_slice %arg2[%dma_start3A_95, %dma_start3A_96] : memref<10240x128xf32, #tpu.memory_space<hbm>> -> memref<10240x128xf32, #tpu.memory_space<hbm>>
        tpu.enqueue_indirect_dma source(%dma_start3A_97 : memref<10240x128xf32, #tpu.memory_space<hbm>>) target(%arg9 : memref<128x128xf32, #tpu.memory_space<vmem>>) offsets(%dma_start3A_94 : memref<128xi32, #tpu.memory_space<vmem>>) semaphore(%arg11 : memref<!tpu.dma_semaphore, #tpu.memory_space<semaphore_mem>>)
        %dma_wait3A_98 = arith.constant 0 : i32
        %dma_wait3A_99 = arith.constant 0 : i32
        %dma_wait3A_100 = tpu.memref_slice %arg7[%dma_wait3A_98, %dma_wait3A_99] : memref<40x128xi32, #tpu.memory_space<vmem>> -> memref<1x128xi32, #tpu.memory_space<vmem>>
        %dma_wait3A_101 = tpu.memref_squeeze %dma_wait3A_100 : memref<1x128xi32, #tpu.memory_space<vmem>> -> memref<128xi32, #tpu.memory_space<vmem>>
        %dma_wait3A_102 = arith.constant 0 : i32
        %dma_wait3A_103 = arith.constant 0 : i32
        %dma_wait3A_104 = tpu.memref_slice %arg2[%dma_wait3A_102, %dma_wait3A_103] : memref<10240x128xf32, #tpu.memory_space<hbm>> -> memref<10240x128xf32, #tpu.memory_space<hbm>>
        tpu.wait_indirect_dma semaphore(%arg12 : memref<!tpu.dma_semaphore, #tpu.memory_space<semaphore_mem>>) src(%dma_wait3A_104 : memref<10240x128xf32, #tpu.memory_space<hbm>>) dst(%arg10 : memref<128x128xf32, #tpu.memory_space<vmem>>)
        %add3A_105 = arith.constant 1 : i32
        %add3A_106 = arith.addi %mul3A_73, %add3A_105 : i32
        "tpu.region"() ({
          %run_scoped3A = tpu.sem_alloc : memref<!tpu.dma_semaphore, #tpu.memory_space<semaphore_mem>>
          %dma_start3A_107 = arith.constant 0 : i32
          %dma_start3A_108 = tpu.memref_slice %arg8[%add3A_106, %dma_start3A_107] : memref<40x128xi32, #tpu.memory_space<vmem>> -> memref<1x128xi32, #tpu.memory_space<vmem>>
          %dma_start3A_109 = tpu.memref_squeeze %dma_start3A_108 : memref<1x128xi32, #tpu.memory_space<vmem>> -> memref<128xi32, #tpu.memory_space<vmem>>
          %dma_start3A_110 = arith.constant 0 : i32
          %dma_start3A_111 = arith.constant 0 : i32
          %dma_start3A_112 = tpu.memref_slice %arg13[%dma_start3A_110, %dma_start3A_111] : memref<10240x128xf32, #tpu.memory_space<vmem_shared>> -> memref<10240x128xf32, #tpu.memory_space<vmem_shared>>
          tpu.enqueue_indirect_dma source(%arg10 : memref<128x128xf32, #tpu.memory_space<vmem>>) target(%dma_start3A_112 : memref<10240x128xf32, #tpu.memory_space<vmem_shared>>) offsets(%dma_start3A_109 : memref<128xi32, #tpu.memory_space<vmem>>) semaphore(%run_scoped3A : memref<!tpu.dma_semaphore, #tpu.memory_space<semaphore_mem>>) {add = true}
          %dma_wait3A_113 = arith.constant 0 : i32
          %dma_wait3A_114 = tpu.memref_slice %arg8[%add3A_106, %dma_wait3A_113] : memref<40x128xi32, #tpu.memory_space<vmem>> -> memref<1x128xi32, #tpu.memory_space<vmem>>
          %dma_wait3A_115 = tpu.memref_squeeze %dma_wait3A_114 : memref<1x128xi32, #tpu.memory_space<vmem>> -> memref<128xi32, #tpu.memory_space<vmem>>
          %dma_wait3A_116 = arith.constant 0 : i32
          %dma_wait3A_117 = arith.constant 0 : i32
          %dma_wait3A_118 = tpu.memref_slice %arg13[%dma_wait3A_116, %dma_wait3A_117] : memref<10240x128xf32, #tpu.memory_space<vmem_shared>> -> memref<10240x128xf32, #tpu.memory_space<vmem_shared>>
          tpu.wait_indirect_dma semaphore(%run_scoped3A : memref<!tpu.dma_semaphore, #tpu.memory_space<semaphore_mem>>) src(%arg10 : memref<128x128xf32, #tpu.memory_space<vmem>>) dst(%dma_wait3A_118 : memref<10240x128xf32, #tpu.memory_space<vmem_shared>>)
          tpu.yield
        }) : () -> ()
      }
      %scan3A_64 = arith.constant 20 : i32
      %dma_wait3A = arith.constant 0 : i32
      %dma_wait3A_65 = arith.constant 0 : i32
      %dma_wait3A_66 = tpu.memref_slice %arg7[%dma_wait3A, %dma_wait3A_65] : memref<40x128xi32, #tpu.memory_space<vmem>> -> memref<1x128xi32, #tpu.memory_space<vmem>>
      %dma_wait3A_67 = tpu.memref_squeeze %dma_wait3A_66 : memref<1x128xi32, #tpu.memory_space<vmem>> -> memref<128xi32, #tpu.memory_space<vmem>>
      %dma_wait3A_68 = arith.constant 0 : i32
      %dma_wait3A_69 = arith.constant 0 : i32
      %dma_wait3A_70 = tpu.memref_slice %arg2[%dma_wait3A_68, %dma_wait3A_69] : memref<10240x128xf32, #tpu.memory_space<hbm>> -> memref<10240x128xf32, #tpu.memory_space<hbm>>
      tpu.wait_indirect_dma semaphore(%arg11 : memref<!tpu.dma_semaphore, #tpu.memory_space<semaphore_mem>>) src(%dma_wait3A_70 : memref<10240x128xf32, #tpu.memory_space<hbm>>) dst(%arg9 : memref<128x128xf32, #tpu.memory_space<vmem>>)
    }
    %scan3A_27 = arith.constant 2 : i32
    %barrier3A_28 = arith.constant 0 : index
    tpu.barrier barrier_id(%barrier3A_28)
    %mul3A_29 = arith.constant 640 : i32
    %mul3A_30 = arith.muli %arg1, %mul3A_29 : i32
    %add3A_31 = arith.constant 0 : i32
    %add3A_32 = arith.addi %mul3A_30, %add3A_31 : i32
    "tpu.region"() ({
      %run_scoped3A = tpu.sem_alloc : memref<!tpu.dma_semaphore, #tpu.memory_space<semaphore_mem>>
      %dma_start3A = arith.constant 0 : i32
      %dma_start3A_49 = tpu.memref_slice %arg13[%add3A_32, %dma_start3A] : memref<10240x128xf32, #tpu.memory_space<vmem_shared>> -> memref<128x128xf32, #tpu.memory_space<vmem_shared>>
      %dma_start3A_50 = arith.constant 0 : i32
      %dma_start3A_51 = tpu.memref_slice %arg13[%add3A_32, %dma_start3A_50] : memref<10240x128xf32, #tpu.memory_space<vmem_shared>> -> memref<128x128xf32, #tpu.memory_space<vmem_shared>>
      tpu.enqueue_dma source(%dma_start3A_51 : memref<128x128xf32, #tpu.memory_space<vmem_shared>>) target(%arg9 : memref<128x128xf32, #tpu.memory_space<vmem>>) target_semaphore(%run_scoped3A : memref<!tpu.dma_semaphore, #tpu.memory_space<semaphore_mem>>)
      %dma_wait3A = arith.constant 0 : i32
      %dma_wait3A_52 = tpu.memref_slice %arg13[%add3A_32, %dma_wait3A] : memref<10240x128xf32, #tpu.memory_space<vmem_shared>> -> memref<128x128xf32, #tpu.memory_space<vmem_shared>>
      %dma_wait3A_53 = arith.constant 0 : i32
      %dma_wait3A_54 = tpu.memref_slice %arg13[%add3A_32, %dma_wait3A_53] : memref<10240x128xf32, #tpu.memory_space<vmem_shared>> -> memref<128x128xf32, #tpu.memory_space<vmem_shared>>
      tpu.wait_dma2 semaphore(%run_scoped3A : memref<!tpu.dma_semaphore, #tpu.memory_space<semaphore_mem>>) src(%dma_wait3A_54 : memref<128x128xf32, #tpu.memory_space<vmem_shared>>) dst(%arg9 : memref<128x128xf32, #tpu.memory_space<vmem>>)
      tpu.yield
    }) : () -> ()
    "tpu.region"() ({
      %run_scoped3A = tpu.sem_alloc : memref<!tpu.dma_semaphore, #tpu.memory_space<semaphore_mem>>
      %dma_start3A = arith.constant 0 : i32
      %dma_start3A_49 = tpu.memref_slice %arg6[%arg0, %add3A_32, %dma_start3A] : memref<2x10240x128xf32, #tpu.memory_space<hbm>> -> memref<1x128x128xf32, #tpu.memory_space<hbm>>
      %dma_start3A_50 = tpu.memref_squeeze %dma_start3A_49 : memref<1x128x128xf32, #tpu.memory_space<hbm>> -> memref<128x128xf32, #tpu.memory_space<hbm>>
      %dma_start3A_51 = arith.constant 0 : i32
      %dma_start3A_52 = tpu.memref_slice %arg6[%arg0, %add3A_32, %dma_start3A_51] : memref<2x10240x128xf32, #tpu.memory_space<hbm>> -> memref<1x128x128xf32, #tpu.memory_space<hbm>>
      %dma_start3A_53 = tpu.memref_squeeze %dma_start3A_52 : memref<1x128x128xf32, #tpu.memory_space<hbm>> -> memref<128x128xf32, #tpu.memory_space<hbm>>
      tpu.enqueue_dma source(%arg9 : memref<128x128xf32, #tpu.memory_space<vmem>>) target(%dma_start3A_53 : memref<128x128xf32, #tpu.memory_space<hbm>>) target_semaphore(%run_scoped3A : memref<!tpu.dma_semaphore, #tpu.memory_space<semaphore_mem>>)
      %dma_wait3A = arith.constant 0 : i32
      %dma_wait3A_54 = tpu.memref_slice %arg6[%arg0, %add3A_32, %dma_wait3A] : memref<2x10240x128xf32, #tpu.memory_space<hbm>> -> memref<1x128x128xf32, #tpu.memory_space<hbm>>
      %dma_wait3A_55 = tpu.memref_squeeze %dma_wait3A_54 : memref<1x128x128xf32, #tpu.memory_space<hbm>> -> memref<128x128xf32, #tpu.memory_space<hbm>>
      %dma_wait3A_56 = arith.constant 0 : i32
      %dma_wait3A_57 = tpu.memref_slice %arg6[%arg0, %add3A_32, %dma_wait3A_56] : memref<2x10240x128xf32, #tpu.memory_space<hbm>> -> memref<1x128x128xf32, #tpu.memory_space<hbm>>
      %dma_wait3A_58 = tpu.memref_squeeze %dma_wait3A_57 : memref<1x128x128xf32, #tpu.memory_space<hbm>> -> memref<128x128xf32, #tpu.memory_space<hbm>>
      tpu.wait_dma2 semaphore(%run_scoped3A : memref<!tpu.dma_semaphore, #tpu.memory_space<semaphore_mem>>) src(%arg9 : memref<128x128xf32, #tpu.memory_space<vmem>>) dst(%dma_wait3A_58 : memref<128x128xf32, #tpu.memory_space<hbm>>)
      tpu.yield
    }) : () -> ()
    %mul3A_33 = arith.constant 640 : i32
    %mul3A_34 = arith.muli %arg1, %mul3A_33 : i32
    %add3A_35 = arith.constant 128 : i32
    %add3A_36 = arith.addi %mul3A_34, %add3A_35 : i32
    "tpu.region"() ({
      %run_scoped3A = tpu.sem_alloc : memref<!tpu.dma_semaphore, #tpu.memory_space<semaphore_mem>>
      %dma_start3A = arith.constant 0 : i32
      %dma_start3A_49 = tpu.memref_slice %arg13[%add3A_36, %dma_start3A] : memref<10240x128xf32, #tpu.memory_space<vmem_shared>> -> memref<128x128xf32, #tpu.memory_space<vmem_shared>>
      %dma_start3A_50 = arith.constant 0 : i32
      %dma_start3A_51 = tpu.memref_slice %arg13[%add3A_36, %dma_start3A_50] : memref<10240x128xf32, #tpu.memory_space<vmem_shared>> -> memref<128x128xf32, #tpu.memory_space<vmem_shared>>
      tpu.enqueue_dma source(%dma_start3A_51 : memref<128x128xf32, #tpu.memory_space<vmem_shared>>) target(%arg9 : memref<128x128xf32, #tpu.memory_space<vmem>>) target_semaphore(%run_scoped3A : memref<!tpu.dma_semaphore, #tpu.memory_space<semaphore_mem>>)
      %dma_wait3A = arith.constant 0 : i32
      %dma_wait3A_52 = tpu.memref_slice %arg13[%add3A_36, %dma_wait3A] : memref<10240x128xf32, #tpu.memory_space<vmem_shared>> -> memref<128x128xf32, #tpu.memory_space<vmem_shared>>
      %dma_wait3A_53 = arith.constant 0 : i32
      %dma_wait3A_54 = tpu.memref_slice %arg13[%add3A_36, %dma_wait3A_53] : memref<10240x128xf32, #tpu.memory_space<vmem_shared>> -> memref<128x128xf32, #tpu.memory_space<vmem_shared>>
      tpu.wait_dma2 semaphore(%run_scoped3A : memref<!tpu.dma_semaphore, #tpu.memory_space<semaphore_mem>>) src(%dma_wait3A_54 : memref<128x128xf32, #tpu.memory_space<vmem_shared>>) dst(%arg9 : memref<128x128xf32, #tpu.memory_space<vmem>>)
      tpu.yield
    }) : () -> ()
    "tpu.region"() ({
      %run_scoped3A = tpu.sem_alloc : memref<!tpu.dma_semaphore, #tpu.memory_space<semaphore_mem>>
      %dma_start3A = arith.constant 0 : i32
      %dma_start3A_49 = tpu.memref_slice %arg6[%arg0, %add3A_36, %dma_start3A] : memref<2x10240x128xf32, #tpu.memory_space<hbm>> -> memref<1x128x128xf32, #tpu.memory_space<hbm>>
      %dma_start3A_50 = tpu.memref_squeeze %dma_start3A_49 : memref<1x128x128xf32, #tpu.memory_space<hbm>> -> memref<128x128xf32, #tpu.memory_space<hbm>>
      %dma_start3A_51 = arith.constant 0 : i32
      %dma_start3A_52 = tpu.memref_slice %arg6[%arg0, %add3A_36, %dma_start3A_51] : memref<2x10240x128xf32, #tpu.memory_space<hbm>> -> memref<1x128x128xf32, #tpu.memory_space<hbm>>
      %dma_start3A_53 = tpu.memref_squeeze %dma_start3A_52 : memref<1x128x128xf32, #tpu.memory_space<hbm>> -> memref<128x128xf32, #tpu.memory_space<hbm>>
      tpu.enqueue_dma source(%arg9 : memref<128x128xf32, #tpu.memory_space<vmem>>) target(%dma_start3A_53 : memref<128x128xf32, #tpu.memory_space<hbm>>) target_semaphore(%run_scoped3A : memref<!tpu.dma_semaphore, #tpu.memory_space<semaphore_mem>>)
      %dma_wait3A = arith.constant 0 : i32
      %dma_wait3A_54 = tpu.memref_slice %arg6[%arg0, %add3A_36, %dma_wait3A] : memref<2x10240x128xf32, #tpu.memory_space<hbm>> -> memref<1x128x128xf32, #tpu.memory_space<hbm>>
      %dma_wait3A_55 = tpu.memref_squeeze %dma_wait3A_54 : memref<1x128x128xf32, #tpu.memory_space<hbm>> -> memref<128x128xf32, #tpu.memory_space<hbm>>
      %dma_wait3A_56 = arith.constant 0 : i32
      %dma_wait3A_57 = tpu.memref_slice %arg6[%arg0, %add3A_36, %dma_wait3A_56] : memref<2x10240x128xf32, #tpu.memory_space<hbm>> -> memref<1x128x128xf32, #tpu.memory_space<hbm>>
      %dma_wait3A_58 = tpu.memref_squeeze %dma_wait3A_57 : memref<1x128x128xf32, #tpu.memory_space<hbm>> -> memref<128x128xf32, #tpu.memory_space<hbm>>
      tpu.wait_dma2 semaphore(%run_scoped3A : memref<!tpu.dma_semaphore, #tpu.memory_space<semaphore_mem>>) src(%arg9 : memref<128x128xf32, #tpu.memory_space<vmem>>) dst(%dma_wait3A_58 : memref<128x128xf32, #tpu.memory_space<hbm>>)
      tpu.yield
    }) : () -> ()
    %mul3A_37 = arith.constant 640 : i32
    %mul3A_38 = arith.muli %arg1, %mul3A_37 : i32
    %add3A_39 = arith.constant 256 : i32
    %add3A_40 = arith.addi %mul3A_38, %add3A_39 : i32
    "tpu.region"() ({
      %run_scoped3A = tpu.sem_alloc : memref<!tpu.dma_semaphore, #tpu.memory_space<semaphore_mem>>
      %dma_start3A = arith.constant 0 : i32
      %dma_start3A_49 = tpu.memref_slice %arg13[%add3A_40, %dma_start3A] : memref<10240x128xf32, #tpu.memory_space<vmem_shared>> -> memref<128x128xf32, #tpu.memory_space<vmem_shared>>
      %dma_start3A_50 = arith.constant 0 : i32
      %dma_start3A_51 = tpu.memref_slice %arg13[%add3A_40, %dma_start3A_50] : memref<10240x128xf32, #tpu.memory_space<vmem_shared>> -> memref<128x128xf32, #tpu.memory_space<vmem_shared>>
      tpu.enqueue_dma source(%dma_start3A_51 : memref<128x128xf32, #tpu.memory_space<vmem_shared>>) target(%arg9 : memref<128x128xf32, #tpu.memory_space<vmem>>) target_semaphore(%run_scoped3A : memref<!tpu.dma_semaphore, #tpu.memory_space<semaphore_mem>>)
      %dma_wait3A = arith.constant 0 : i32
      %dma_wait3A_52 = tpu.memref_slice %arg13[%add3A_40, %dma_wait3A] : memref<10240x128xf32, #tpu.memory_space<vmem_shared>> -> memref<128x128xf32, #tpu.memory_space<vmem_shared>>
      %dma_wait3A_53 = arith.constant 0 : i32
      %dma_wait3A_54 = tpu.memref_slice %arg13[%add3A_40, %dma_wait3A_53] : memref<10240x128xf32, #tpu.memory_space<vmem_shared>> -> memref<128x128xf32, #tpu.memory_space<vmem_shared>>
      tpu.wait_dma2 semaphore(%run_scoped3A : memref<!tpu.dma_semaphore, #tpu.memory_space<semaphore_mem>>) src(%dma_wait3A_54 : memref<128x128xf32, #tpu.memory_space<vmem_shared>>) dst(%arg9 : memref<128x128xf32, #tpu.memory_space<vmem>>)
      tpu.yield
    }) : () -> ()
    "tpu.region"() ({
      %run_scoped3A = tpu.sem_alloc : memref<!tpu.dma_semaphore, #tpu.memory_space<semaphore_mem>>
      %dma_start3A = arith.constant 0 : i32
      %dma_start3A_49 = tpu.memref_slice %arg6[%arg0, %add3A_40, %dma_start3A] : memref<2x10240x128xf32, #tpu.memory_space<hbm>> -> memref<1x128x128xf32, #tpu.memory_space<hbm>>
      %dma_start3A_50 = tpu.memref_squeeze %dma_start3A_49 : memref<1x128x128xf32, #tpu.memory_space<hbm>> -> memref<128x128xf32, #tpu.memory_space<hbm>>
      %dma_start3A_51 = arith.constant 0 : i32
      %dma_start3A_52 = tpu.memref_slice %arg6[%arg0, %add3A_40, %dma_start3A_51] : memref<2x10240x128xf32, #tpu.memory_space<hbm>> -> memref<1x128x128xf32, #tpu.memory_space<hbm>>
      %dma_start3A_53 = tpu.memref_squeeze %dma_start3A_52 : memref<1x128x128xf32, #tpu.memory_space<hbm>> -> memref<128x128xf32, #tpu.memory_space<hbm>>
      tpu.enqueue_dma source(%arg9 : memref<128x128xf32, #tpu.memory_space<vmem>>) target(%dma_start3A_53 : memref<128x128xf32, #tpu.memory_space<hbm>>) target_semaphore(%run_scoped3A : memref<!tpu.dma_semaphore, #tpu.memory_space<semaphore_mem>>)
      %dma_wait3A = arith.constant 0 : i32
      %dma_wait3A_54 = tpu.memref_slice %arg6[%arg0, %add3A_40, %dma_wait3A] : memref<2x10240x128xf32, #tpu.memory_space<hbm>> -> memref<1x128x128xf32, #tpu.memory_space<hbm>>
      %dma_wait3A_55 = tpu.memref_squeeze %dma_wait3A_54 : memref<1x128x128xf32, #tpu.memory_space<hbm>> -> memref<128x128xf32, #tpu.memory_space<hbm>>
      %dma_wait3A_56 = arith.constant 0 : i32
      %dma_wait3A_57 = tpu.memref_slice %arg6[%arg0, %add3A_40, %dma_wait3A_56] : memref<2x10240x128xf32, #tpu.memory_space<hbm>> -> memref<1x128x128xf32, #tpu.memory_space<hbm>>
      %dma_wait3A_58 = tpu.memref_squeeze %dma_wait3A_57 : memref<1x128x128xf32, #tpu.memory_space<hbm>> -> memref<128x128xf32, #tpu.memory_space<hbm>>
      tpu.wait_dma2 semaphore(%run_scoped3A : memref<!tpu.dma_semaphore, #tpu.memory_space<semaphore_mem>>) src(%arg9 : memref<128x128xf32, #tpu.memory_space<vmem>>) dst(%dma_wait3A_58 : memref<128x128xf32, #tpu.memory_space<hbm>>)
      tpu.yield
    }) : () -> ()
    %mul3A_41 = arith.constant 640 : i32
    %mul3A_42 = arith.muli %arg1, %mul3A_41 : i32
    %add3A_43 = arith.constant 384 : i32
    %add3A_44 = arith.addi %mul3A_42, %add3A_43 : i32
    "tpu.region"() ({
      %run_scoped3A = tpu.sem_alloc : memref<!tpu.dma_semaphore, #tpu.memory_space<semaphore_mem>>
      %dma_start3A = arith.constant 0 : i32
      %dma_start3A_49 = tpu.memref_slice %arg13[%add3A_44, %dma_start3A] : memref<10240x128xf32, #tpu.memory_space<vmem_shared>> -> memref<128x128xf32, #tpu.memory_space<vmem_shared>>
      %dma_start3A_50 = arith.constant 0 : i32
      %dma_start3A_51 = tpu.memref_slice %arg13[%add3A_44, %dma_start3A_50] : memref<10240x128xf32, #tpu.memory_space<vmem_shared>> -> memref<128x128xf32, #tpu.memory_space<vmem_shared>>
      tpu.enqueue_dma source(%dma_start3A_51 : memref<128x128xf32, #tpu.memory_space<vmem_shared>>) target(%arg9 : memref<128x128xf32, #tpu.memory_space<vmem>>) target_semaphore(%run_scoped3A : memref<!tpu.dma_semaphore, #tpu.memory_space<semaphore_mem>>)
      %dma_wait3A = arith.constant 0 : i32
      %dma_wait3A_52 = tpu.memref_slice %arg13[%add3A_44, %dma_wait3A] : memref<10240x128xf32, #tpu.memory_space<vmem_shared>> -> memref<128x128xf32, #tpu.memory_space<vmem_shared>>
      %dma_wait3A_53 = arith.constant 0 : i32
      %dma_wait3A_54 = tpu.memref_slice %arg13[%add3A_44, %dma_wait3A_53] : memref<10240x128xf32, #tpu.memory_space<vmem_shared>> -> memref<128x128xf32, #tpu.memory_space<vmem_shared>>
      tpu.wait_dma2 semaphore(%run_scoped3A : memref<!tpu.dma_semaphore, #tpu.memory_space<semaphore_mem>>) src(%dma_wait3A_54 : memref<128x128xf32, #tpu.memory_space<vmem_shared>>) dst(%arg9 : memref<128x128xf32, #tpu.memory_space<vmem>>)
      tpu.yield
    }) : () -> ()
    "tpu.region"() ({
      %run_scoped3A = tpu.sem_alloc : memref<!tpu.dma_semaphore, #tpu.memory_space<semaphore_mem>>
      %dma_start3A = arith.constant 0 : i32
      %dma_start3A_49 = tpu.memref_slice %arg6[%arg0, %add3A_44, %dma_start3A] : memref<2x10240x128xf32, #tpu.memory_space<hbm>> -> memref<1x128x128xf32, #tpu.memory_space<hbm>>
      %dma_start3A_50 = tpu.memref_squeeze %dma_start3A_49 : memref<1x128x128xf32, #tpu.memory_space<hbm>> -> memref<128x128xf32, #tpu.memory_space<hbm>>
      %dma_start3A_51 = arith.constant 0 : i32
      %dma_start3A_52 = tpu.memref_slice %arg6[%arg0, %add3A_44, %dma_start3A_51] : memref<2x10240x128xf32, #tpu.memory_space<hbm>> -> memref<1x128x128xf32, #tpu.memory_space<hbm>>
      %dma_start3A_53 = tpu.memref_squeeze %dma_start3A_52 : memref<1x128x128xf32, #tpu.memory_space<hbm>> -> memref<128x128xf32, #tpu.memory_space<hbm>>
      tpu.enqueue_dma source(%arg9 : memref<128x128xf32, #tpu.memory_space<vmem>>) target(%dma_start3A_53 : memref<128x128xf32, #tpu.memory_space<hbm>>) target_semaphore(%run_scoped3A : memref<!tpu.dma_semaphore, #tpu.memory_space<semaphore_mem>>)
      %dma_wait3A = arith.constant 0 : i32
      %dma_wait3A_54 = tpu.memref_slice %arg6[%arg0, %add3A_44, %dma_wait3A] : memref<2x10240x128xf32, #tpu.memory_space<hbm>> -> memref<1x128x128xf32, #tpu.memory_space<hbm>>
      %dma_wait3A_55 = tpu.memref_squeeze %dma_wait3A_54 : memref<1x128x128xf32, #tpu.memory_space<hbm>> -> memref<128x128xf32, #tpu.memory_space<hbm>>
      %dma_wait3A_56 = arith.constant 0 : i32
      %dma_wait3A_57 = tpu.memref_slice %arg6[%arg0, %add3A_44, %dma_wait3A_56] : memref<2x10240x128xf32, #tpu.memory_space<hbm>> -> memref<1x128x128xf32, #tpu.memory_space<hbm>>
      %dma_wait3A_58 = tpu.memref_squeeze %dma_wait3A_57 : memref<1x128x128xf32, #tpu.memory_space<hbm>> -> memref<128x128xf32, #tpu.memory_space<hbm>>
      tpu.wait_dma2 semaphore(%run_scoped3A : memref<!tpu.dma_semaphore, #tpu.memory_space<semaphore_mem>>) src(%arg9 : memref<128x128xf32, #tpu.memory_space<vmem>>) dst(%dma_wait3A_58 : memref<128x128xf32, #tpu.memory_space<hbm>>)
      tpu.yield
    }) : () -> ()
    %mul3A_45 = arith.constant 640 : i32
    %mul3A_46 = arith.muli %arg1, %mul3A_45 : i32
    %add3A_47 = arith.constant 512 : i32
    %add3A_48 = arith.addi %mul3A_46, %add3A_47 : i32
    "tpu.region"() ({
      %run_scoped3A = tpu.sem_alloc : memref<!tpu.dma_semaphore, #tpu.memory_space<semaphore_mem>>
      %dma_start3A = arith.constant 0 : i32
      %dma_start3A_49 = tpu.memref_slice %arg13[%add3A_48, %dma_start3A] : memref<10240x128xf32, #tpu.memory_space<vmem_shared>> -> memref<128x128xf32, #tpu.memory_space<vmem_shared>>
      %dma_start3A_50 = arith.constant 0 : i32
      %dma_start3A_51 = tpu.memref_slice %arg13[%add3A_48, %dma_start3A_50] : memref<10240x128xf32, #tpu.memory_space<vmem_shared>> -> memref<128x128xf32, #tpu.memory_space<vmem_shared>>
      tpu.enqueue_dma source(%dma_start3A_51 : memref<128x128xf32, #tpu.memory_space<vmem_shared>>) target(%arg9 : memref<128x128xf32, #tpu.memory_space<vmem>>) target_semaphore(%run_scoped3A : memref<!tpu.dma_semaphore, #tpu.memory_space<semaphore_mem>>)
      %dma_wait3A = arith.constant 0 : i32
      %dma_wait3A_52 = tpu.memref_slice %arg13[%add3A_48, %dma_wait3A] : memref<10240x128xf32, #tpu.memory_space<vmem_shared>> -> memref<128x128xf32, #tpu.memory_space<vmem_shared>>
      %dma_wait3A_53 = arith.constant 0 : i32
      %dma_wait3A_54 = tpu.memref_slice %arg13[%add3A_48, %dma_wait3A_53] : memref<10240x128xf32, #tpu.memory_space<vmem_shared>> -> memref<128x128xf32, #tpu.memory_space<vmem_shared>>
      tpu.wait_dma2 semaphore(%run_scoped3A : memref<!tpu.dma_semaphore, #tpu.memory_space<semaphore_mem>>) src(%dma_wait3A_54 : memref<128x128xf32, #tpu.memory_space<vmem_shared>>) dst(%arg9 : memref<128x128xf32, #tpu.memory_space<vmem>>)
      tpu.yield
    }) : () -> ()
    "tpu.region"() ({
      %run_scoped3A = tpu.sem_alloc : memref<!tpu.dma_semaphore, #tpu.memory_space<semaphore_mem>>
      %dma_start3A = arith.constant 0 : i32
      %dma_start3A_49 = tpu.memref_slice %arg6[%arg0, %add3A_48, %dma_start3A] : memref<2x10240x128xf32, #tpu.memory_space<hbm>> -> memref<1x128x128xf32, #tpu.memory_space<hbm>>
      %dma_start3A_50 = tpu.memref_squeeze %dma_start3A_49 : memref<1x128x128xf32, #tpu.memory_space<hbm>> -> memref<128x128xf32, #tpu.memory_space<hbm>>
      %dma_start3A_51 = arith.constant 0 : i32
      %dma_start3A_52 = tpu.memref_slice %arg6[%arg0, %add3A_48, %dma_start3A_51] : memref<2x10240x128xf32, #tpu.memory_space<hbm>> -> memref<1x128x128xf32, #tpu.memory_space<hbm>>
      %dma_start3A_53 = tpu.memref_squeeze %dma_start3A_52 : memref<1x128x128xf32, #tpu.memory_space<hbm>> -> memref<128x128xf32, #tpu.memory_space<hbm>>
      tpu.enqueue_dma source(%arg9 : memref<128x128xf32, #tpu.memory_space<vmem>>) target(%dma_start3A_53 : memref<128x128xf32, #tpu.memory_space<hbm>>) target_semaphore(%run_scoped3A : memref<!tpu.dma_semaphore, #tpu.memory_space<semaphore_mem>>)
      %dma_wait3A = arith.constant 0 : i32
      %dma_wait3A_54 = tpu.memref_slice %arg6[%arg0, %add3A_48, %dma_wait3A] : memref<2x10240x128xf32, #tpu.memory_space<hbm>> -> memref<1x128x128xf32, #tpu.memory_space<hbm>>
      %dma_wait3A_55 = tpu.memref_squeeze %dma_wait3A_54 : memref<1x128x128xf32, #tpu.memory_space<hbm>> -> memref<128x128xf32, #tpu.memory_space<hbm>>
      %dma_wait3A_56 = arith.constant 0 : i32
      %dma_wait3A_57 = tpu.memref_slice %arg6[%arg0, %add3A_48, %dma_wait3A_56] : memref<2x10240x128xf32, #tpu.memory_space<hbm>> -> memref<1x128x128xf32, #tpu.memory_space<hbm>>
      %dma_wait3A_58 = tpu.memref_squeeze %dma_wait3A_57 : memref<1x128x128xf32, #tpu.memory_space<hbm>> -> memref<128x128xf32, #tpu.memory_space<hbm>>
      tpu.wait_dma2 semaphore(%run_scoped3A : memref<!tpu.dma_semaphore, #tpu.memory_space<semaphore_mem>>) src(%arg9 : memref<128x128xf32, #tpu.memory_space<vmem>>) dst(%dma_wait3A_58 : memref<128x128xf32, #tpu.memory_space<hbm>>)
      tpu.yield
    }) : () -> ()
    return
  }
}

module attributes {stable_mosaic.version = 14 : i64} {
  func.func @_tc1_body(%arg0: memref<10000x128xf32, #tpu.memory_space<vmem>>, %arg1: memref<128x128xf32, #tpu.memory_space<vmem>>, %arg2: memref<10000x2xf32, #tpu.memory_space<vmem>>, %arg3: memref<10240x128xf32, #tpu.memory_space<vmem>>) attributes {dimension_semantics = [], scalar_prefetch = 0 : i64, scratch_operands = 0 : i64, tpu.core_type = #tpu.core_type<tc>} {
    %get3A = arith.constant 0 : index
    %get3A_0 = arith.constant 0 : index
    %get3A_1 = vector.load %arg2[%get3A, %get3A_0] : memref<10000x2xf32, #tpu.memory_space<vmem>>, vector<10000x1xf32>
    %get3A_2 = arith.constant 0 : index
    %get3A_3 = arith.constant 1 : index
    %get3A_4 = vector.load %arg2[%get3A_2, %get3A_3] : memref<10000x2xf32, #tpu.memory_space<vmem>>, vector<10000x1xf32>
    %add3A = arith.addf %get3A_1, %get3A_4 : vector<10000x1xf32>
    %add3A_5 = arith.constant 1.000000e+00 : f32
    %add3A_6 = vector.broadcast %add3A_5 : f32 to vector<10000x1xf32>
    %add3A_7 = arith.addf %add3A, %add3A_6 : vector<10000x1xf32>
    %rsqrt3A = math.rsqrt %add3A_7 : vector<10000x1xf32>
    %get3A_8 = arith.constant 0 : index
    %get3A_9 = arith.constant 0 : index
    %get3A_10 = vector.load %arg0[%get3A_8, %get3A_9] : memref<10000x128xf32, #tpu.memory_space<vmem>>, vector<10000x128xf32>
    %get3A_11 = arith.constant 0 : index
    %get3A_12 = arith.constant 0 : index
    %get3A_13 = vector.load %arg1[%get3A_11, %get3A_12] : memref<128x128xf32, #tpu.memory_space<vmem>>, vector<128x128xf32>
    %dot_general3A = arith.constant dense<0.000000e+00> : vector<10000x128xf32>
    %dot_general3A_14 = tpu.matmul %get3A_10, %get3A_13, %dot_general3A {dimension_numbers = #tpu.dot_dimension_numbers<[1], [0], [0], [1], [0, 0, 1, 1], [], []>, transpose_lhs_hint = false} : vector<10000x128xf32>, vector<128x128xf32>, vector<10000x128xf32> -> vector<10000x128xf32>
    %mul3A = vector.broadcast %rsqrt3A : vector<10000x1xf32> to vector<10000x128xf32>
    %mul3A_15 = arith.mulf %dot_general3A_14, %mul3A : vector<10000x128xf32>
    %swap3A = arith.constant 0 : index
    %swap3A_16 = arith.constant 0 : index
    %swap3A_17 = vector.load %arg3[%swap3A, %swap3A_16] : memref<10240x128xf32, #tpu.memory_space<vmem>>, vector<10000x128xf32>
    tpu.vector_store %arg3[%swap3A, %swap3A_16], %mul3A_15 {strides = array<i32>} : memref<10240x128xf32, #tpu.memory_space<vmem>>, vector<10000x128xf32>,
    return
  }
}

module attributes {stable_mosaic.version = 14 : i64} {
  func.func @_tc2_body(%arg0: memref<2x10240x128xf32, #tpu.memory_space<vmem>>, %arg1: memref<10240x128xf32, #tpu.memory_space<vmem>>, %arg2: memref<10000x2xf32, #tpu.memory_space<vmem>>, %arg3: memref<128xf32, #tpu.memory_space<vmem>>, %arg4: memref<128x128xf32, #tpu.memory_space<vmem>>, %arg5: memref<10240x128xf32, #tpu.memory_space<vmem>>) attributes {dimension_semantics = [], scalar_prefetch = 0 : i64, scratch_operands = 0 : i64, tpu.core_type = #tpu.core_type<tc>} {
    %get3A = arith.constant 0 : index
    %get3A_0 = arith.constant 0 : index
    %get3A_1 = vector.load %arg2[%get3A, %get3A_0] : memref<10000x2xf32, #tpu.memory_space<vmem>>, vector<10000x1xf32>
    %get3A_2 = arith.constant 0 : index
    %get3A_3 = arith.constant 1 : index
    %get3A_4 = vector.load %arg2[%get3A_2, %get3A_3] : memref<10000x2xf32, #tpu.memory_space<vmem>>, vector<10000x1xf32>
    %add3A = arith.addf %get3A_1, %get3A_4 : vector<10000x1xf32>
    %add3A_5 = arith.constant 1.000000e+00 : f32
    %add3A_6 = vector.broadcast %add3A_5 : f32 to vector<10000x1xf32>
    %add3A_7 = arith.addf %add3A, %add3A_6 : vector<10000x1xf32>
    %rsqrt3A = math.rsqrt %add3A_7 : vector<10000x1xf32>
    %get3A_8 = arith.constant 0 : index
    %get3A_9 = arith.constant 0 : index
    %get3A_10 = arith.constant 0 : index
    %get3A_11 = vector.load %arg0[%get3A_8, %get3A_9, %get3A_10] : memref<2x10240x128xf32, #tpu.memory_space<vmem>>, vector<1x10000x128xf32>
    %get3A_12 = vector.shape_cast %get3A_11 : vector<1x10000x128xf32> to vector<10000x128xf32>
    %get3A_13 = arith.constant 1 : index
    %get3A_14 = arith.constant 0 : index
    %get3A_15 = arith.constant 0 : index
    %get3A_16 = vector.load %arg0[%get3A_13, %get3A_14, %get3A_15] : memref<2x10240x128xf32, #tpu.memory_space<vmem>>, vector<1x10000x128xf32>
    %get3A_17 = vector.shape_cast %get3A_16 : vector<1x10000x128xf32> to vector<10000x128xf32>
    %add3A_18 = arith.addf %get3A_12, %get3A_17 : vector<10000x128xf32>
    %get3A_19 = arith.constant 0 : index
    %get3A_20 = arith.constant 0 : index
    %get3A_21 = vector.load %arg1[%get3A_19, %get3A_20] : memref<10240x128xf32, #tpu.memory_space<vmem>>, vector<10000x128xf32>
    %add3A_22 = arith.addf %add3A_18, %get3A_21 : vector<10000x128xf32>
    %mul3A = vector.broadcast %rsqrt3A : vector<10000x1xf32> to vector<10000x128xf32>
    %mul3A_23 = arith.mulf %add3A_22, %mul3A : vector<10000x128xf32>
    %get3A_24 = arith.constant 0 : index
    %get3A_25 = vector.load %arg3[%get3A_24] : memref<128xf32, #tpu.memory_space<vmem>>, vector<128xf32>
    %broadcast_in_dim3A = vector.shape_cast %get3A_25 : vector<128xf32> to vector<1x128xf32>
    %add3A_26 = vector.broadcast %broadcast_in_dim3A : vector<1x128xf32> to vector<10000x128xf32>
    %add3A_27 = arith.addf %mul3A_23, %add3A_26 : vector<10000x128xf32>
    %max3A = arith.constant 0.000000e+00 : f32
    %max3A_28 = vector.broadcast %max3A : f32 to vector<10000x128xf32>
    %max3A_29 = arith.maximumf %add3A_27, %max3A_28 : vector<10000x128xf32>
    %get3A_30 = arith.constant 0 : index
    %get3A_31 = arith.constant 0 : index
    %get3A_32 = vector.load %arg4[%get3A_30, %get3A_31] : memref<128x128xf32, #tpu.memory_space<vmem>>, vector<128x128xf32>
    %dot_general3A = arith.constant dense<0.000000e+00> : vector<10000x128xf32>
    %dot_general3A_33 = tpu.matmul %max3A_29, %get3A_32, %dot_general3A {dimension_numbers = #tpu.dot_dimension_numbers<[1], [0], [0], [1], [0, 0, 1, 1], [], []>, transpose_lhs_hint = false} : vector<10000x128xf32>, vector<128x128xf32>, vector<10000x128xf32> -> vector<10000x128xf32>
    %mul3A_34 = vector.broadcast %rsqrt3A : vector<10000x1xf32> to vector<10000x128xf32>
    %mul3A_35 = arith.mulf %dot_general3A_33, %mul3A_34 : vector<10000x128xf32>
    %swap3A = arith.constant 0 : index
    %swap3A_36 = arith.constant 0 : index
    %swap3A_37 = vector.load %arg5[%swap3A, %swap3A_36] : memref<10240x128xf32, #tpu.memory_space<vmem>>, vector<10000x128xf32>
    tpu.vector_store %arg5[%swap3A, %swap3A_36], %mul3A_35 {strides = array<i32>} : memref<10240x128xf32, #tpu.memory_space<vmem>>, vector<10000x128xf32>,
    return
  }
}

module attributes {stable_mosaic.version = 14 : i64} {
  func.func @_tc3_body(%arg0: memref<2x10240x128xf32, #tpu.memory_space<vmem>>, %arg1: memref<10240x128xf32, #tpu.memory_space<vmem>>, %arg2: memref<10000x2xf32, #tpu.memory_space<vmem>>, %arg3: memref<128xf32, #tpu.memory_space<vmem>>, %arg4: memref<128x64xf32, #tpu.memory_space<vmem>>, %arg5: memref<64xf32, #tpu.memory_space<vmem>>, %arg6: memref<128x64xf32, #tpu.memory_space<vmem>>, %arg7: memref<64xf32, #tpu.memory_space<vmem>>, %arg8: memref<10000x64xf32, #tpu.memory_space<vmem>>, %arg9: memref<10000x64xf32, #tpu.memory_space<vmem>>) attributes {dimension_semantics = [], scalar_prefetch = 0 : i64, scratch_operands = 0 : i64, tpu.core_type = #tpu.core_type<tc>} {
    %get3A = arith.constant 0 : index
    %get3A_0 = arith.constant 0 : index
    %get3A_1 = vector.load %arg2[%get3A, %get3A_0] : memref<10000x2xf32, #tpu.memory_space<vmem>>, vector<10000x1xf32>
    %get3A_2 = arith.constant 0 : index
    %get3A_3 = arith.constant 1 : index
    %get3A_4 = vector.load %arg2[%get3A_2, %get3A_3] : memref<10000x2xf32, #tpu.memory_space<vmem>>, vector<10000x1xf32>
    %add3A = arith.addf %get3A_1, %get3A_4 : vector<10000x1xf32>
    %add3A_5 = arith.constant 1.000000e+00 : f32
    %add3A_6 = vector.broadcast %add3A_5 : f32 to vector<10000x1xf32>
    %add3A_7 = arith.addf %add3A, %add3A_6 : vector<10000x1xf32>
    %rsqrt3A = math.rsqrt %add3A_7 : vector<10000x1xf32>
    %get3A_8 = arith.constant 0 : index
    %get3A_9 = arith.constant 0 : index
    %get3A_10 = arith.constant 0 : index
    %get3A_11 = vector.load %arg0[%get3A_8, %get3A_9, %get3A_10] : memref<2x10240x128xf32, #tpu.memory_space<vmem>>, vector<1x10000x128xf32>
    %get3A_12 = vector.shape_cast %get3A_11 : vector<1x10000x128xf32> to vector<10000x128xf32>
    %get3A_13 = arith.constant 1 : index
    %get3A_14 = arith.constant 0 : index
    %get3A_15 = arith.constant 0 : index
    %get3A_16 = vector.load %arg0[%get3A_13, %get3A_14, %get3A_15] : memref<2x10240x128xf32, #tpu.memory_space<vmem>>, vector<1x10000x128xf32>
    %get3A_17 = vector.shape_cast %get3A_16 : vector<1x10000x128xf32> to vector<10000x128xf32>
    %add3A_18 = arith.addf %get3A_12, %get3A_17 : vector<10000x128xf32>
    %get3A_19 = arith.constant 0 : index
    %get3A_20 = arith.constant 0 : index
    %get3A_21 = vector.load %arg1[%get3A_19, %get3A_20] : memref<10240x128xf32, #tpu.memory_space<vmem>>, vector<10000x128xf32>
    %add3A_22 = arith.addf %add3A_18, %get3A_21 : vector<10000x128xf32>
    %mul3A = vector.broadcast %rsqrt3A : vector<10000x1xf32> to vector<10000x128xf32>
    %mul3A_23 = arith.mulf %add3A_22, %mul3A : vector<10000x128xf32>
    %get3A_24 = arith.constant 0 : index
    %get3A_25 = vector.load %arg3[%get3A_24] : memref<128xf32, #tpu.memory_space<vmem>>, vector<128xf32>
    %broadcast_in_dim3A = vector.shape_cast %get3A_25 : vector<128xf32> to vector<1x128xf32>
    %add3A_26 = vector.broadcast %broadcast_in_dim3A : vector<1x128xf32> to vector<10000x128xf32>
    %add3A_27 = arith.addf %mul3A_23, %add3A_26 : vector<10000x128xf32>
    %max3A = arith.constant 0.000000e+00 : f32
    %max3A_28 = vector.broadcast %max3A : f32 to vector<10000x128xf32>
    %max3A_29 = arith.maximumf %add3A_27, %max3A_28 : vector<10000x128xf32>
    %get3A_30 = arith.constant 0 : index
    %get3A_31 = arith.constant 0 : index
    %get3A_32 = vector.load %arg4[%get3A_30, %get3A_31] : memref<128x64xf32, #tpu.memory_space<vmem>>, vector<128x64xf32>
    %dot_general3A = arith.constant dense<0.000000e+00> : vector<10000x64xf32>
    %dot_general3A_33 = tpu.matmul %max3A_29, %get3A_32, %dot_general3A {dimension_numbers = #tpu.dot_dimension_numbers<[1], [0], [0], [1], [0, 0, 1, 1], [], []>, transpose_lhs_hint = false} : vector<10000x128xf32>, vector<128x64xf32>, vector<10000x64xf32> -> vector<10000x64xf32>
    %get3A_34 = arith.constant 0 : index
    %get3A_35 = vector.load %arg5[%get3A_34] : memref<64xf32, #tpu.memory_space<vmem>>, vector<64xf32>
    %broadcast_in_dim3A_36 = vector.shape_cast %get3A_35 : vector<64xf32> to vector<1x64xf32>
    %add3A_37 = vector.broadcast %broadcast_in_dim3A_36 : vector<1x64xf32> to vector<10000x64xf32>
    %add3A_38 = arith.addf %dot_general3A_33, %add3A_37 : vector<10000x64xf32>
    %swap3A = arith.constant 0 : index
    %swap3A_39 = arith.constant 0 : index
    %swap3A_40 = vector.load %arg8[%swap3A, %swap3A_39] : memref<10000x64xf32, #tpu.memory_space<vmem>>, vector<10000x64xf32>
    tpu.vector_store %arg8[%swap3A, %swap3A_39], %add3A_38 {strides = array<i32>} : memref<10000x64xf32, #tpu.memory_space<vmem>>, vector<10000x64xf32>,
    %get3A_41 = arith.constant 0 : index
    %get3A_42 = arith.constant 0 : index
    %get3A_43 = vector.load %arg6[%get3A_41, %get3A_42] : memref<128x64xf32, #tpu.memory_space<vmem>>, vector<128x64xf32>
    %dot_general3A_44 = arith.constant dense<0.000000e+00> : vector<10000x64xf32>
    %dot_general3A_45 = tpu.matmul %max3A_29, %get3A_43, %dot_general3A_44 {dimension_numbers = #tpu.dot_dimension_numbers<[1], [0], [0], [1], [0, 0, 1, 1], [], []>, transpose_lhs_hint = false} : vector<10000x128xf32>, vector<128x64xf32>, vector<10000x64xf32> -> vector<10000x64xf32>
    %get3A_46 = arith.constant 0 : index
    %get3A_47 = vector.load %arg7[%get3A_46] : memref<64xf32, #tpu.memory_space<vmem>>, vector<64xf32>
    %broadcast_in_dim3A_48 = vector.shape_cast %get3A_47 : vector<64xf32> to vector<1x64xf32>
    %add3A_49 = vector.broadcast %broadcast_in_dim3A_48 : vector<1x64xf32> to vector<10000x64xf32>
    %add3A_50 = arith.addf %dot_general3A_45, %add3A_49 : vector<10000x64xf32>
    %swap3A_51 = arith.constant 0 : index
    %swap3A_52 = arith.constant 0 : index
    %swap3A_53 = vector.load %arg9[%swap3A_51, %swap3A_52] : memref<10000x64xf32, #tpu.memory_space<vmem>>, vector<10000x64xf32>
    tpu.vector_store %arg9[%swap3A_51, %swap3A_52], %add3A_50 {strides = array<i32>} : memref<10000x64xf32, #tpu.memory_space<vmem>>, vector<10000x64xf32>,
    return
  }
}

</mosaic_0001>

<sc_bundles>
// kernel: kernel.11.cloned.1.call-start
scs
__scs_entry_jumppad:
0x0: {  	(pc) =	sbr.rel $0x88, $3  }
0x1: {  	(tag) =	ssettag $0x0;
	lr =	simm.s32 $0x1  }
0x2: {  	[smem:$0x3F97] =	sst lr;
	_ =	strace $0xD0000000  }
0x3: {  	_ = 	snop  }
0x4: {  	_ = 	snop  }
0x5: {  	_ = 	snop  }
0x6: {  	_ = 	snop  }
0x7: {  	_ = 	snop  }
__scs_overlays_trampoline_lowered:
0x8: {  	[smem:$0x3FA6] =	sst s0  }
0x9: {  	[smem:$0x3FA7] =	sst s1  }
0xa: {  	[smem:$0x3FA8] =	sst s2  }
0xb: {  	[smem:$0x3FA9] =	sst s3  }
0xc: {  	[smem:$0x3FAA] =	sst s4  }
0xd: {  	[smem:$0x3FAB] =	sst s5  }
0xe: {  	[smem:$0x3FAC] =	sst s6  }
0xf: {  	[smem:$0x3FAD] =	sst s7  }
0x10: {  	[smem:$0x3FAE] =	sst s8  }
0x11: {  	[smem:$0x3FAF] =	sst s9;
	s0 =	simm.s32 @!p0 $0x0  }
0x12: {  	s1 =	sld [smem:$0x3F95];
	s0 =	simm.s32 @p0 $0x1  }
0x13: {  	[smem:$0x3FB0] =	sst s0;
	s0 =	simm.s32 @!p1 $0x0  }
0x14: {  	s2 =	sld [smem:$0x3F94];
	s0 =	simm.s32 @p1 $0x1  }
0x15: {  	[smem:$0x3FB1] =	sst s0;
	s0 =	simm.s32 @!p2 $0x0  }
0x16: {  	s3 =	sld [smem:$0x3FDB];
	s0 =	simm.s32 @p2 $0x1  }
0x17: {  	s4 =	simm.s32 $0x1BF5;
	[smem:$0x3FB3] =	sst s0  }
0x18: {  	s0 =	sld [smem:$0x3F96];
	_ =	swait.ge [sflag:s4], $0x0  }
0x19: {  	s7 =	sld [smem:$0x3F97]  }
0x1a: {  	s8 =	sadd.s32 $0xFFFFE003, lr  }
0x1b: {  	s9 =	sadd.s32 $0xFFFFFEF7, lr;
	s5 =	simm.s32 $0xFFFFFFFF;
	p2 =	slt.u32 s8, $0xFFFFF086  }
0x1c: {  	p1 =	slt.u32 s9, $0xF7A;
	s5 =	simm.s32 @!p2 $0x0  }
0x1d: {  	s5 =	simm.s32 @p1 $0x1;
	p0 =	seq.s32 s7, s2  }
0x1e: {  	s7 =	smul.u32 @!p0 $0xF7A, s2;
	p2 =	seq.s32 @!p0 s5, $0x0  }
0x1f: {  	s9 =	smul.u32 $0xF7A, s1;
	s8 =	simm.s32 @!p0 $0x1BF5;
	p2 =	por !p2, p0  }
0x20: {  	[sflag:s8] =	ssyncset.s32 @!p0 $0xFFFFF086;
	s6 =	sadd.s32 @!p0 s3, s7;
	s7 =	simm.s32 @!p0 $0x108  }
0x21: {  	s3 =	sadd.s32 s3, s9;
	s6 =	sadd.s32 @!p0 $0x88, s6;
	s7 =	simm.s32 @p2 $0x1082  }
0x22: {  	[simem:s7], [sflag:s8] =	dma.local @!p0 [hbm:s6], $0xF7A  }
0x23: {  	s9 =	sor.u32 $0xD0000000, s2;
	s6 =	simm.s32 $0x108;
	_ =	swait.ge @!p0 [sflag:s8], $0x0  }
0x24: {  	s3 =	sadd.s32 $0x88, s3;
	s6 =	simm.s32 @!p1 $0x1082;
	[sflag:s4] =	ssyncset.s32 $0xFFFFF086  }
0x25: {  	[simem:s6], [sflag:s4] =	dma.local [hbm:s3], $0xF7A  }
0x26: {  	[smem:$0x3F97] =	sst s1;
	(tag) =	ssettag s2;
	_ =	strace s9  }
0x27: {  	s1 =	sld [smem:$0x3FA7]  }
0x28: {  	s2 =	sld [smem:$0x3FA8]  }
0x29: {  	s4 =	sld [smem:$0x3FAA]  }
0x2a: {  	p0 =	seq.s32 s5, $0x0;
	s5 =	sld [smem:$0x3FAB]  }
0x2b: {  	s6 =	sld [smem:$0x3FAC]  }
0x2c: {  	s7 =	sld [smem:$0x3FAD]  }
0x2d: {  	s3 =	simm.s32 $0x108;
	s8 =	sld [smem:$0x3FAE]  }
0x2e: {  	s3 =	simm.s32 @!p0 $0x1082;
	s9 =	sld [smem:$0x3FAF]  }
0x2f: {  	lr =	sadd.s32 s0, s3;
	s0 =	sld [smem:$0x3FA6]  }
0x30: {  	s3 =	sld [smem:$0x3FA9]  }
0x31: {  	[smem:$0x3FB2] =	sst s10  }
0x32: {  	s10 =	sld [smem:$0x3FB0];
	_ =	sdelay $0x3  }
0x33: {  	p0 =	seq.s32 s10, $0x1;
	s10 =	sld [smem:$0x3FB2];
	_ =	sdelay $0x3  }
0x34: {  	[smem:$0x3FB2] =	sst s10  }
0x35: {  	s10 =	sld [smem:$0x3FB1];
	_ =	sdelay $0x3  }
0x36: {  	p1 =	seq.s32 s10, $0x1;
	s10 =	sld [smem:$0x3FB2];
	_ =	sdelay $0x3  }
0x37: {  	[smem:$0x3FB2] =	sst s10  }
0x38: {  	s10 =	sld [smem:$0x3FB3]  }
0x39: {  	_ = 	snop;
	(pc) =	sbr.ind lr, $3  }
0x3a: {  	_ = 	snop  }
0x3b: {  	_ = 	snop  }
0x3c: {  	p2 =	seq.s32 s10, $0x1;
	s10 =	sld [smem:$0x3FB2]  }
0x3d: {  	_ =	shalt  }
0x3e: {  	_ =	shalt  }
0x3f: {  	_ =	shalt  }
0x40: {  	_ =	shalt  }
0x41: {  	_ =	shalt  }
0x42: {  	_ =	shalt  }
0x43: {  	_ =	shalt  }
0x44: {  	_ =	shalt  }
0x45: {  	_ =	shalt  }
0x46: {  	_ =	shalt  }
0x47: {  	_ =	shalt  }
0x48: {  	_ =	shalt  }
0x49: {  	_ =	shalt  }
0x4a: {  	_ =	shalt  }
0x4b: {  	_ =	shalt  }
0x4c: {  	_ =	shalt  }
0x4d: {  	_ =	shalt  }
0x4e: {  	_ =	shalt  }
0x4f: {  	_ =	shalt  }
0x50: {  	_ =	shalt  }
0x51: {  	_ =	shalt  }
0x52: {  	_ =	shalt  }
0x53: {  	_ =	shalt  }
0x54: {  	_ =	shalt  }
0x55: {  	_ =	shalt  }
0x56: {  	_ =	shalt  }
0x57: {  	_ =	shalt  }
0x58: {  	_ =	shalt  }
0x59: {  	_ =	shalt  }
0x5a: {  	_ =	shalt  }
0x5b: {  	_ =	shalt  }
0x5c: {  	_ =	shalt  }
0x5d: {  	_ =	shalt  }
0x5e: {  	_ =	shalt  }
0x5f: {  	_ =	shalt  }
0x60: {  	_ =	shalt  }
0x61: {  	_ =	shalt  }
0x62: {  	_ =	shalt  }
0x63: {  	_ =	shalt  }
0x64: {  	_ =	shalt  }
0x65: {  	_ =	shalt  }
0x66: {  	_ =	shalt  }
0x67: {  	_ =	shalt  }
0x68: {  	_ =	shalt  }
0x69: {  	_ =	shalt  }
0x6a: {  	_ =	shalt  }
0x6b: {  	_ =	shalt  }
0x6c: {  	_ =	shalt  }
0x6d: {  	_ =	shalt  }
0x6e: {  	_ =	shalt  }
0x6f: {  	_ =	shalt  }
0x70: {  	_ =	shalt  }
0x71: {  	_ =	shalt  }
0x72: {  	_ =	shalt  }
0x73: {  	_ =	shalt  }
0x74: {  	_ =	shalt  }
0x75: {  	_ =	shalt  }
0x76: {  	_ =	shalt  }
0x77: {  	_ =	shalt  }
0x78: {  	_ =	shalt  }
0x79: {  	_ =	shalt  }
0x7a: {  	_ =	shalt  }
0x7b: {  	_ =	shalt  }
0x7c: {  	_ =	shalt  }
0x7d: {  	_ =	shalt  }
0x7e: {  	_ =	shalt  }
0x7f: {  	_ =	shalt  }
0x80: {  	_ =	shalt  }
0x81: {  	_ =	shalt  }
0x82: {  	_ =	shalt  }
0x83: {  	_ =	shalt  }
0x84: {  	_ =	shalt  }
0x85: {  	_ =	shalt  }
0x86: {  	_ =	shalt  }
0x87: {  	_ =	shalt  }
.Lfunc_end0:
.L_simem_size_0:
called_computation.1_lowered:
.L_overlay_start_0:
0x88: {  	s2 =	sld [smem:$0x3FD9]  }
0x89: {  	s3 =	sld [smem:$0x3FFE];
	_ =	sdelay $0x1  }
0x8a: {  	s1 =	srdreg.scid  }
0x8b: {  	s0 =	sand.u32 $0x1, s1  }
0x8c: {  	s14 =	sshll.u32 s0, $0xA;
	s2 =	sadd.s32 s3, s2  }
0x8d: {  	s2 =	sadd.s32 s2, s14  }
0x8e: {  	[smem:$0x3FBE] =	sst s2  }
0x8f: {  	_ = 	snop  }
0x90: {  	s2 =	sld [smem:$0x3FD0];
	_ =	sdelay $0x2  }
0x91: {  	s15 =	simm.s32 $0xA;
	s4 =	simm.s32 $0x10  }
0x92: {  	[smem:s4], [sflag:s15] =	dma.local [hbm:s2], $0x1  }
0x93: {  	_ =	swait.eq [sflag:s15], $0x1  }
0x94: {  	[sflag:s15] =	ssyncset.done $0x0  }
0x95: {  	s16 =	sld [smem:$0x10];
	[sflag:s15] =	ssyncadd.s32 $0xFFFFFFFF  }
0x96: {  	s17 =	sld [smem:$0x11];
	(tm) =	ssettm $0x1  }
0x97: {  	s18 =	sld [smem:$0x3FFB];
	_ =	sdelay $0x3  }
0x98: {  	_ =	strace s18  }
0x99: {  	s4 =	sld [smem:$0x3FFC];
	_ =	sdelay $0x3  }
0x9a: {  	_ =	strace s4  }
0x9b: {  	s4 =	sld [smem:$0x3FFD];
	_ =	sdelay $0x3  }
0x9c: {  	_ =	strace s4  }
0x9d: {  	_ =	strace $0x8FFFFFFF  }
0x9e: {  	s19 =	sld [smem:$0x3FDB];
	_ =	sdelay $0x1  }
0x9f: {  	s5 =	simm.s32 $_scs_section_size  }
0xa0: {  	s6 =	simm.s32 $_size__tile_overlayer_lowered;
	s7 =	simm.s32 $_tile_overlayer_lowered  }
0xa1: {  	s22 =	simm.s32 $0x1BFF;
	s21 =	sshll.u32 s7, $0x1;
	s4 =	sadd.s32 s5, s19  }
0xa2: {  	s8 =	simm.s32 $0x0;
	s20 =	sshll.u32 s6, $0x1;
	s6 =	sadd.s32 s21, s4  }
0xa3: {  	[timem:s8], [sflag:s22] =	dma.local [hbm:s6], s20  }
0xa4: {  	_ =	swait.ge [sflag:s22], s20  }
0xa5: {  	s5 =	ssub.s32 $0x0, s20;
	[sflag:s22] =	ssyncset.done $0x0  }
0xa6: {  	[sflag:s22] =	ssyncadd.s32 s5;
	_ =	sdelay $0x1  }
0xa7: {  	s23 =	simm.s32 $0x1B8B  }
0xa8: {  	_ =	swait.ge [sflag:s23], $0x1  }
0xa9: {  	[sflag:s23] =	ssyncset.done $0x0  }
0xaa: {  	s25 =	simm.s32 $0x1B8E;
	s24 =	sld [smem:$0x3FFE];
	[sflag:s23] =	ssyncadd.s32 $0xFFFFFFFF  }
0xab: {  	s26 =	simm.s32 $execute0_lowered;
	[smem:$0x3FD2] =	sst s25  }
0xac: {  	s6 =	sshll.u32 s26, $0x1;
	_ =	strace $0x80000049;
	[dreg:$0x1] =	wrdreg $0xFFFFFFFF  }
0xad: {  	s28 =	simm.s32 $_size_execute0_lowered;
	s4 =	sadd.s32 s4, s6;
	[dreg:$0x0] =	wrdreg $0x0  }
0xae: {  	s6 =	sshll.u32 s28, $0x1;
	[dreg:$0x2] =	wrdreg s4  }
0xaf: {  	[dreg:$0x3] =	wrdreg s6  }
0xb0: {  	[dreg:$0x4] =	wrdreg $0xC0  }
0xb1: {  	_ =	task [dreg:s8], $0x5FFFF  }
0xb2: {  	[dreg:$0x1] =	wrdreg $0xFFFFFFFF  }
0xb3: {  	[dreg:$0x0] =	wrdreg $0x60  }
0xb4: {  	[dreg:$0x2] =	wrdreg s24  }
0xb5: {  	[dreg:$0x3] =	wrdreg s16  }
0xb6: {  	[dreg:$0x4] =	wrdreg s17  }
0xb7: {  	[dreg:$0x5] =	wrdreg $0xA8000  }
0xb8: {  	[dreg:$0x6] =	wrdreg $0x9  }
0xb9: {  	_ =	task.clear_ibuf [dreg:s8], $0x7FFFF;
	_ =	strace $0x90000049  }
0xba: {  	s29 =	simm.s32 $0x9;
	_ =	strace $0x8000004B  }
0xbb: {  	_ =	swait.ge [sflag:s29], $0x1  }
0xbc: {  	[sflag:s29] =	ssyncadd.s32 $0xFFFFFFFF  }
0xbd: {  	_ =	strace $0x9000004B  }
0xbe: {  	_ =	sfence  }
0xbf: {  	s30 =	sld [smem:$0x0];
	_ =	sdelay $0x2  }
0xc0: {  	s31 =	sshll.u32 s1, $0xD;
	s1 =	sshrl.u32 s1, $0x2  }
0xc1: {  	s3 =	sand.u32 $0x4000, s31;
	s1 =	sadd.s32 s1, s30  }
0xc2: {  	s0 =	sor.u32 s3, s0;
	s1 =	sshll.u32 s1, $0x11  }
0xc3: {  	s0 =	sor.u32 s1, s0  }
0xc4: {  	s0 =	sadd.s32 $0x8F2B, s0  }
0xc5: {  	[sflag:s0] =	ssyncadd.remote.s32 $0x1  }
0xc6: {  	_ =	sfence.sel $0xFFFF  }
0xc7: {  	[dreg:$0x0] =	wrdreg $0xFFFFFFFF;
	(pc) =	sbr.abs _section_cstart, $3  }
0xc8: {  	[dreg:$0x1] =	wrdreg $0xFFFFFFFF  }
0xc9: {  	_ =	task.clear_ibuf [dreg:s8], $0x2FFFF;
	_ =	strace $0x9FFFFFFF  }
0xca: {  	(tm) =	ssettm $0x7FFFFFFF  }
0xcb: {  	_ =	shalt  }
tec
execute0_lowered:
.L_overlay_start_1:
0x0: {  	(tag) =	ssettag $0x1  }
0x1: {  	s0 =	rddreg [dreg:$0x0]  }
0x2: {  	s2 =	rddreg [dreg:$0x1]  }
0x3: {  	s5 =	rddreg [dreg:$0x2]  }
0x4: {  	s1 =	rddreg [dreg:$0x3];
	s3 =	simm.s32 $0x0  }
0x5: {  	s4 =	srdreg.scid;
	s12 =	stileid.u32;
	s28 =	simm.s32 $0x2  }
0x6: {  	s29 =	simm.s32 $0x1380;
	s30 =	simm.s32 $0x2700;
	s31 =	simm.s32 $0x2780  }
0x7: {  	[smem:$0x7FF] =	sst s3;
	s7 =	sand.u32 $0x1, s4;
	s4 =	sadd.s32 $0x2E00, s0  }
0x8: {  	s8 =	smul.u32 $0x50000, s12;
	s9 =	sadd.s32 $0x2AE00, s0;
	s0 =	sadd.s32 $0x2B600, s0  }
0x9: {  	s11 =	smul.u32 $0x14000, s12;
	_ =	strace $0x8000004A;
	s6 =	ssub.s32 $0x2, s7  }
0xa: {  	[dreg:$0x5] =	wrdreg s9;
	s10 =	sshll.u32 s7, $0x4;
	s15 =	smul.u32 $0x140000, s7  }
0xb: {  	s21 =	sshrl.u32 s6, $0x1;
	s8 =	sshrl.u32 s8, $0x2;
	s13 =	sor.u32 s12, s10  }
0xc: {  	s22 =	sadd.s32 $0x4000, s11;
	s14 =	sadd.s32 $0x8000, s11;
	s17 =	sadd.s32 $0xC000, s11  }
0xd: {  	s18 =	sadd.s32 $0x10000, s11;
	s16 =	ssub.s32 s6, s21;
	s6 =	sadd.s32 s8, s1  }
0xe: {  	s7 =	sadd.s32 s22, s1;
	s8 =	sadd.s32 s14, s1;
	s9 =	sadd.s32 s17, s1  }
0xf: {  	s11 =	sadd.s32 s11, s15;
	s10 =	sadd.s32 s18, s1;
	s12 =	sadd.s32 s15, s22  }
0x10: {  	s14 =	sadd.s32 s15, s14;
	s17 =	sadd.s32 s15, s17;
	s15 =	sadd.s32 s15, s18  }
0x11: {  	s24 =	smul.u32 $0x500, s13;
	s21 =	simm.s32 $0x2800;
	s22 =	simm.s32 $0x3  }
0x12: {  	s11 =	sshrl.u32 s11, $0x3;
	s12 =	sshrl.u32 s12, $0x3;
	s14 =	sshrl.u32 s14, $0x3  }
0x13: {  	s17 =	sshrl.u32 s17, $0x3;
	s15 =	sshrl.u32 s15, $0x3;
	s16 =	smax.u32 s16, $0x1  }
0x14: {  	s11 =	sadd.s32 s0, s11;
	s23 =	sadd.s32 s0, s12;
	s25 =	sadd.s32 s0, s14  }
0x15: {  	s14 =	sadd.s32 s0, s17;
	s15 =	sadd.s32 s0, s15;
	s26 =	sadd.s32 $0x280, s24  }
0x16: {  	s17 =	sadd.s32 s2, s24;
	s18 =	sadd.s32 s5, s24;
	[dreg:$0x6] =	wrdreg s11  }
0x17: {  	s24 =	simm.s32 $0x80;
	s0 =	simm.s32 $0x0;
	[dreg:$0x7] =	wrdreg s23  }
0x18: {  	[dreg:$0x8] =	wrdreg s25;
	s19 =	sadd.s32 s2, s26;
	s20 =	sadd.s32 s5, s26  }
0x19: {  	s23 =	simm.s32 $0x1400;
	s25 =	simm.s32 $0x6800;
	s26 =	simm.s32 $0x1  }
.LBB2_1:
0x1a: {  	s2 =	rddreg [dreg:$0x5]  }
0x1b: {  	[tilespmem:s21], [sflag:$0x3] =	stream.linear.gather [hbm4b:s2+s3], $0x4000, $0x38;
	[tilespmem:$0x1E800] =	vst v63  }
0x1c: {  	_ =	swait.ge [sflag:s22], $0x4000  }
0x1d: {  	[sflag:s22] =	ssyncset.done $0x0  }
0x1e: {  	[sflag:s22] =	ssyncadd.s32 $0xFFFFC000  }
0x1f: {  	[spmem:s6] =	stream.linear.scatter [tilespmem:s21], [sflag:$0x3], $0x4000, $0x38;
	[tilespmem:$0x1E800] =	vst v63  }
0x20: {  	_ =	swait.ge [sflag:s22], $0x4000  }
0x21: {  	[sflag:s22] =	ssyncset.done $0x0  }
0x22: {  	[sflag:s22] =	ssyncadd.s32 $0xFFFFC000  }
0x23: {  	[spmem:s7] =	stream.linear.scatter [tilespmem:s21], [sflag:$0x3], $0x4000, $0x38;
	[tilespmem:$0x1E800] =	vst v63  }
0x24: {  	_ =	swait.ge [sflag:s22], $0x4000  }
0x25: {  	[sflag:s22] =	ssyncset.done $0x0  }
0x26: {  	[sflag:s22] =	ssyncadd.s32 $0xFFFFC000  }
0x27: {  	[spmem:s8] =	stream.linear.scatter [tilespmem:s21], [sflag:$0x3], $0x4000, $0x38;
	[tilespmem:$0x1E800] =	vst v63  }
0x28: {  	_ =	swait.ge [sflag:s22], $0x4000  }
0x29: {  	[sflag:s22] =	ssyncset.done $0x0  }
0x2a: {  	[sflag:s22] =	ssyncadd.s32 $0xFFFFC000  }
0x2b: {  	[spmem:s9] =	stream.linear.scatter [tilespmem:s21], [sflag:$0x3], $0x4000, $0x38;
	[tilespmem:$0x1E800] =	vst v63  }
0x2c: {  	_ =	swait.ge [sflag:s22], $0x4000  }
0x2d: {  	[sflag:s22] =	ssyncset.done $0x0  }
0x2e: {  	[sflag:s22] =	ssyncadd.s32 $0xFFFFC000  }
0x2f: {  	[spmem:s10] =	stream.linear.scatter [tilespmem:s21], [sflag:$0x3], $0x4000, $0x38;
	[tilespmem:$0x1E800] =	vst v63  }
0x30: {  	_ =	swait.ge [sflag:s22], $0x4000  }
0x31: {  	[sflag:s22] =	ssyncset.done $0x0  }
0x32: {  	[sflag:s22] =	ssyncadd.s32 $0xFFFFC000  }
0x33: {  	[bflag:$0x0] =	sbarrier.arrive $0xFFFF  }
0x34: {  	[tilespmem:s3], [sflag:$0x3] =	stream.linear.gather [hbm4b:s17+s3], $0x1400, $0x38;
	[tilespmem:$0x1E800] =	vst v63  }
0x35: {  	_ =	swait.ge [sflag:s22], $0x1400  }
0x36: {  	[sflag:s22] =	ssyncset.done $0x0  }
0x37: {  	[sflag:s22] =	ssyncadd.s32 $0xFFFFEC00  }
0x38: {  	[tilespmem:s23], [sflag:$0x3] =	stream.linear.gather [hbm4b:s18+s3], $0x1400, $0x38;
	[tilespmem:$0x1E800] =	vst v63  }
0x39: {  	_ =	swait.ge [sflag:s22], $0x1400  }
0x3a: {  	[sflag:s22] =	ssyncset.done $0x0  }
0x3b: {  	[sflag:s22] =	ssyncadd.s32 $0xFFFFEC00  }
0x3c: {  	[tilespmem:s21], [sflag:$0x1] =	stream.indirect.gather [hbm4b:s4+s24], $0x80, s3, s24, $0xb8;
	[tilespmem:$0x1E800] =	vst v63  }
0x3d: {  	s5 =	simm.s32 $0x80  }
0x3e: {  	[tilespmem:s25], [sflag:$0x2] =	stream.indirect.gather [hbm4b:s4+s24], $0x80, s5, s24, $0xb8;
	[tilespmem:$0x1E800] =	vst v63  }
0x3f: {  	_ =	swait.ge [sflag:s26], $0x4000  }
0x40: {  	[sflag:s26] =	ssyncset.done $0x0  }
0x41: {  	s11 =	simm.s32 $0x1400;
	[sflag:s26] =	ssyncadd.s32 $0xFFFFC000  }
0x42: {  	[spmem:s1] =	stream.indirect.scatter.add.f32 [tilespmem:s21], [sflag:$0x3], $0x80, s11, s24, $0xb8;
	[tilespmem:$0x1E800] =	vst v63  }
0x43: {  	_ =	swait.ge [sflag:s22], $0x4000  }
0x44: {  	[sflag:s22] =	ssyncset.done $0x0  }
0x45: {  	s12 =	simm.s32 $0x100;
	[sflag:s22] =	ssyncadd.s32 $0xFFFFC000  }
0x46: {  	[tilespmem:s21], [sflag:$0x1] =	stream.indirect.gather [hbm4b:s4+s24], $0x80, s12, s24, $0xb8;
	[tilespmem:$0x1E800] =	vst v63  }
0x47: {  	_ =	swait.ge [sflag:s28], $0x4000  }
0x48: {  	[sflag:s28] =	ssyncset.done $0x0  }
0x49: {  	s13 =	simm.s32 $0x1480;
	[sflag:s28] =	ssyncadd.s32 $0xFFFFC000  }
0x4a: {  	[spmem:s1] =	stream.indirect.scatter.add.f32 [tilespmem:s25], [sflag:$0x3], $0x80, s13, s24, $0xb8;
	[tilespmem:$0x1E800] =	vst v63  }
0x4b: {  	_ =	swait.ge [sflag:s22], $0x4000  }
0x4c: {  	s2 =	simm.s32 $0x100;
	s5 =	simm.s32 $0x800;
	[sflag:s22] =	ssyncset.done $0x0  }
.LBB2_2:
0x4d: {  	s11 =	sadd.s32 $0x80, s2  }
0x4e: {  	[sflag:s22] =	ssyncadd.s32 $0xFFFFC000;
	s12 =	smov.u32 s5;
	s13 =	sadd.s32 $0x400, s5  }
0x4f: {  	[tilespmem:s25], [sflag:$0x2] =	stream.indirect.gather [hbm4b:s4+s24], $0x80, s11, s24, $0xb8;
	[tilespmem:$0x1E800] =	vst v63  }
0x50: {  	p0 =	sne.s32 s5, $0x4800;
	_ =	swait.ge [sflag:s26], $0x4000  }
0x51: {  	[sflag:s26] =	ssyncset.done $0x0  }
0x52: {  	s5 =	sadd.s32 $0x1400, s2;
	[sflag:s26] =	ssyncadd.s32 $0xFFFFC000  }
0x53: {  	[spmem:s1] =	stream.indirect.scatter.add.f32 [tilespmem:s21], [sflag:$0x3], $0x80, s5, s24, $0xb8;
	[tilespmem:$0x1E800] =	vst v63  }
0x54: {  	_ =	swait.ge [sflag:s22], $0x4000  }
0x55: {  	[sflag:s22] =	ssyncset.done $0x0  }
0x56: {  	s5 =	sadd.s32 $0x100, s2;
	[sflag:s22] =	ssyncadd.s32 $0xFFFFC000  }
0x57: {  	[tilespmem:s21], [sflag:$0x1] =	stream.indirect.gather [hbm4b:s4+s24], $0x80, s5, s24, $0xb8;
	[tilespmem:$0x1E800] =	vst v63  }
0x58: {  	_ =	swait.ge [sflag:s28], $0x4000  }
.Ltmp0:
0x59: {  	[sflag:s28] =	ssyncset.done $0x0;
	(pc) =	sbr.rel @p0 .LBB2_2-.Ltmp0, $4  }
0x5a: {  	s2 =	sadd.s32 $0x1480, s2;
	[sflag:s28] =	ssyncadd.s32 $0xFFFFC000  }
0x5b: {  	[spmem:s1] =	stream.indirect.scatter.add.f32 [tilespmem:s25], [sflag:$0x3], $0x80, s2, s24, $0xb8;
	[tilespmem:$0x1E800] =	vst v63  }
0x5c: {  	_ =	swait.ge [sflag:s22], $0x4000  }
0x5d: {  	s5 =	smov.u32 s13;
	s2 =	sshra.s32 s12, $0x2;
	[sflag:s22] =	ssyncset.done $0x0  }
0x5e: {  	s5 =	sadd.s32 $0x80, s2;
	[sflag:s22] =	ssyncadd.s32 $0xFFFFC000  }
0x5f: {  	[tilespmem:s25], [sflag:$0x2] =	stream.indirect.gather [hbm4b:s4+s24], $0x80, s5, s24, $0xb8;
	[tilespmem:$0x1E800] =	vst v63  }
0x60: {  	_ =	swait.ge [sflag:s26], $0x4000  }
0x61: {  	[sflag:s26] =	ssyncset.done $0x0  }
0x62: {  	s13 =	sadd.s32 $0x1400, s2;
	[sflag:s26] =	ssyncadd.s32 $0xFFFFC000  }
0x63: {  	[spmem:s1] =	stream.indirect.scatter.add.f32 [tilespmem:s21], [sflag:$0x3], $0x80, s13, s24, $0xb8;
	[tilespmem:$0x1E800] =	vst v63  }
0x64: {  	_ =	swait.ge [sflag:s22], $0x4000  }
0x65: {  	[sflag:s22] =	ssyncset.done $0x0  }
0x66: {  	s11 =	sadd.s32 $0x100, s2;
	[sflag:s22] =	ssyncadd.s32 $0xFFFFC000  }
0x67: {  	[tilespmem:s21], [sflag:$0x1] =	stream.indirect.gather [hbm4b:s4+s24], $0x80, s11, s24, $0xb8;
	[tilespmem:$0x1E800] =	vst v63  }
0x68: {  	_ =	swait.ge [sflag:s28], $0x4000  }
0x69: {  	[sflag:s28] =	ssyncset.done $0x0  }
0x6a: {  	s12 =	sadd.s32 $0x1480, s2;
	[sflag:s28] =	ssyncadd.s32 $0xFFFFC000  }
0x6b: {  	[spmem:s1] =	stream.indirect.scatter.add.f32 [tilespmem:s25], [sflag:$0x3], $0x80, s12, s24, $0xb8;
	[tilespmem:$0x1E800] =	vst v63  }
0x6c: {  	_ =	swait.ge [sflag:s22], $0x4000  }
0x6d: {  	[sflag:s22] =	ssyncset.done $0x0  }
0x6e: {  	[sflag:s22] =	ssyncadd.s32 $0xFFFFC000  }
0x6f: {  	[tilespmem:s25], [sflag:$0x2] =	stream.indirect.gather [hbm4b:s4+s24], $0x80, s29, s24, $0xb8;
	[tilespmem:$0x1E800] =	vst v63  }
0x70: {  	_ =	swait.ge [sflag:s26], $0x4000  }
0x71: {  	[sflag:s26] =	ssyncset.done $0x0  }
0x72: {  	[sflag:s26] =	ssyncadd.s32 $0xFFFFC000  }
0x73: {  	[spmem:s1] =	stream.indirect.scatter.add.f32 [tilespmem:s21], [sflag:$0x3], $0x80, s30, s24, $0xb8;
	[tilespmem:$0x1E800] =	vst v63  }
0x74: {  	_ =	swait.ge [sflag:s22], $0x4000  }
0x75: {  	[sflag:s22] =	ssyncset.done $0x0  }
0x76: {  	[sflag:s22] =	ssyncadd.s32 $0xFFFFC000  }
0x77: {  	[tilespmem:s21], [sflag:$0x1] =	stream.indirect.gather [hbm4b:s4+s24], $0x80, s29, s24, $0xb8;
	[tilespmem:$0x1E800] =	vst v63  }
0x78: {  	_ =	swait.ge [sflag:s28], $0x4000  }
0x79: {  	[sflag:s28] =	ssyncset.done $0x0  }
0x7a: {  	[sflag:s28] =	ssyncadd.s32 $0xFFFFC000  }
0x7b: {  	[spmem:s1] =	stream.indirect.scatter.add.f32 [tilespmem:s25], [sflag:$0x3], $0x80, s31, s24, $0xb8;
	[tilespmem:$0x1E800] =	vst v63  }
0x7c: {  	_ =	swait.ge [sflag:s22], $0x4000  }
0x7d: {  	[sflag:s22] =	ssyncset.done $0x0  }
0x7e: {  	[sflag:s22] =	ssyncadd.s32 $0xFFFFC000  }
0x7f: {  	_ =	swait.ge [sflag:s26], $0x4000  }
0x80: {  	[sflag:s26] =	ssyncset.done $0x0  }
0x81: {  	s13 =	simm.s32 $0x0;
	[sflag:s26] =	ssyncadd.s32 $0xFFFFC000  }
0x82: {  	[tilespmem:s13], [sflag:$0x3] =	stream.linear.gather [hbm4b:s19+s13], $0x1400, $0x38;
	[tilespmem:$0x1E800] =	vst v63  }
0x83: {  	_ =	swait.ge [sflag:s22], $0x1400  }
0x84: {  	[sflag:s22] =	ssyncset.done $0x0  }
0x85: {  	[sflag:s22] =	ssyncadd.s32 $0xFFFFEC00  }
0x86: {  	[tilespmem:s23], [sflag:$0x3] =	stream.linear.gather [hbm4b:s20+s13], $0x1400, $0x38;
	[tilespmem:$0x1E800] =	vst v63  }
0x87: {  	_ =	swait.ge [sflag:s22], $0x1400  }
0x88: {  	[sflag:s22] =	ssyncset.done $0x0  }
0x89: {  	[sflag:s22] =	ssyncadd.s32 $0xFFFFEC00  }
0x8a: {  	[tilespmem:s21], [sflag:$0x1] =	stream.indirect.gather [hbm4b:s4+s24], $0x80, s13, s24, $0xb8;
	[tilespmem:$0x1E800] =	vst v63  }
0x8b: {  	s5 =	simm.s32 $0x80  }
0x8c: {  	[tilespmem:s25], [sflag:$0x2] =	stream.indirect.gather [hbm4b:s4+s24], $0x80, s5, s24, $0xb8;
	[tilespmem:$0x1E800] =	vst v63  }
0x8d: {  	_ =	swait.ge [sflag:s26], $0x4000  }
0x8e: {  	[sflag:s26] =	ssyncset.done $0x0  }
0x8f: {  	s11 =	simm.s32 $0x1400;
	[sflag:s26] =	ssyncadd.s32 $0xFFFFC000  }
0x90: {  	[spmem:s1] =	stream.indirect.scatter.add.f32 [tilespmem:s21], [sflag:$0x3], $0x80, s11, s24, $0xb8;
	[tilespmem:$0x1E800] =	vst v63  }
0x91: {  	_ =	swait.ge [sflag:s22], $0x4000  }
0x92: {  	[sflag:s22] =	ssyncset.done $0x0  }
0x93: {  	s12 =	simm.s32 $0x100;
	[sflag:s22] =	ssyncadd.s32 $0xFFFFC000  }
0x94: {  	[tilespmem:s21], [sflag:$0x1] =	stream.indirect.gather [hbm4b:s4+s24], $0x80, s12, s24, $0xb8;
	[tilespmem:$0x1E800] =	vst v63  }
0x95: {  	_ =	swait.ge [sflag:s28], $0x4000  }
0x96: {  	[sflag:s28] =	ssyncset.done $0x0  }
0x97: {  	s13 =	simm.s32 $0x1480;
	[sflag:s28] =	ssyncadd.s32 $0xFFFFC000  }
0x98: {  	[spmem:s1] =	stream.indirect.scatter.add.f32 [tilespmem:s25], [sflag:$0x3], $0x80, s13, s24, $0xb8;
	[tilespmem:$0x1E800] =	vst v63  }
0x99: {  	_ =	swait.ge [sflag:s22], $0x4000  }
0x9a: {  	s2 =	simm.s32 $0x100;
	s5 =	simm.s32 $0x800;
	[sflag:s22] =	ssyncset.done $0x0  }
.LBB2_4:
0x9b: {  	s11 =	sadd.s32 $0x80, s2  }
0x9c: {  	[sflag:s22] =	ssyncadd.s32 $0xFFFFC000;
	s12 =	smov.u32 s5;
	s13 =	sadd.s32 $0x400, s5  }
0x9d: {  	[tilespmem:s25], [sflag:$0x2] =	stream.indirect.gather [hbm4b:s4+s24], $0x80, s11, s24, $0xb8;
	[tilespmem:$0x1E800] =	vst v63  }
0x9e: {  	p0 =	sne.s32 s5, $0x4800;
	_ =	swait.ge [sflag:s26], $0x4000  }
0x9f: {  	[sflag:s26] =	ssyncset.done $0x0  }
0xa0: {  	s5 =	sadd.s32 $0x1400, s2;
	[sflag:s26] =	ssyncadd.s32 $0xFFFFC000  }
0xa1: {  	[spmem:s1] =	stream.indirect.scatter.add.f32 [tilespmem:s21], [sflag:$0x3], $0x80, s5, s24, $0xb8;
	[tilespmem:$0x1E800] =	vst v63  }
0xa2: {  	_ =	swait.ge [sflag:s22], $0x4000  }
0xa3: {  	[sflag:s22] =	ssyncset.done $0x0  }
0xa4: {  	s5 =	sadd.s32 $0x100, s2;
	[sflag:s22] =	ssyncadd.s32 $0xFFFFC000  }
0xa5: {  	[tilespmem:s21], [sflag:$0x1] =	stream.indirect.gather [hbm4b:s4+s24], $0x80, s5, s24, $0xb8;
	[tilespmem:$0x1E800] =	vst v63  }
0xa6: {  	_ =	swait.ge [sflag:s28], $0x4000  }
.Ltmp1:
0xa7: {  	[sflag:s28] =	ssyncset.done $0x0;
	(pc) =	sbr.rel @p0 .LBB2_4-.Ltmp1, $4  }
0xa8: {  	s2 =	sadd.s32 $0x1480, s2;
	[sflag:s28] =	ssyncadd.s32 $0xFFFFC000  }
0xa9: {  	[spmem:s1] =	stream.indirect.scatter.add.f32 [tilespmem:s25], [sflag:$0x3], $0x80, s2, s24, $0xb8;
	[tilespmem:$0x1E800] =	vst v63  }
0xaa: {  	_ =	swait.ge [sflag:s22], $0x4000  }
0xab: {  	s5 =	smov.u32 s13;
	s2 =	sshra.s32 s12, $0x2;
	[sflag:s22] =	ssyncset.done $0x0  }
0xac: {  	s5 =	sadd.s32 $0x80, s2;
	[sflag:s22] =	ssyncadd.s32 $0xFFFFC000  }
0xad: {  	[tilespmem:s25], [sflag:$0x2] =	stream.indirect.gather [hbm4b:s4+s24], $0x80, s5, s24, $0xb8;
	[tilespmem:$0x1E800] =	vst v63  }
0xae: {  	_ =	swait.ge [sflag:s26], $0x4000  }
0xaf: {  	[sflag:s26] =	ssyncset.done $0x0  }
0xb0: {  	s12 =	sadd.s32 $0x1400, s2;
	[sflag:s26] =	ssyncadd.s32 $0xFFFFC000  }
0xb1: {  	[spmem:s1] =	stream.indirect.scatter.add.f32 [tilespmem:s21], [sflag:$0x3], $0x80, s12, s24, $0xb8;
	[tilespmem:$0x1E800] =	vst v63  }
0xb2: {  	_ =	swait.ge [sflag:s22], $0x4000  }
0xb3: {  	[sflag:s22] =	ssyncset.done $0x0  }
0xb4: {  	s13 =	sadd.s32 $0x100, s2;
	[sflag:s22] =	ssyncadd.s32 $0xFFFFC000  }
0xb5: {  	[tilespmem:s21], [sflag:$0x1] =	stream.indirect.gather [hbm4b:s4+s24], $0x80, s13, s24, $0xb8;
	[tilespmem:$0x1E800] =	vst v63  }
0xb6: {  	_ =	swait.ge [sflag:s28], $0x4000  }
0xb7: {  	[sflag:s28] =	ssyncset.done $0x0  }
0xb8: {  	s5 =	sadd.s32 $0x1480, s2;
	[sflag:s28] =	ssyncadd.s32 $0xFFFFC000  }
0xb9: {  	[spmem:s1] =	stream.indirect.scatter.add.f32 [tilespmem:s25], [sflag:$0x3], $0x80, s5, s24, $0xb8;
	[tilespmem:$0x1E800] =	vst v63  }
0xba: {  	_ =	swait.ge [sflag:s22], $0x4000  }
0xbb: {  	[sflag:s22] =	ssyncset.done $0x0  }
0xbc: {  	[sflag:s22] =	ssyncadd.s32 $0xFFFFC000  }
0xbd: {  	[tilespmem:s25], [sflag:$0x2] =	stream.indirect.gather [hbm4b:s4+s24], $0x80, s29, s24, $0xb8;
	[tilespmem:$0x1E800] =	vst v63  }
0xbe: {  	_ =	swait.ge [sflag:s26], $0x4000  }
0xbf: {  	[sflag:s26] =	ssyncset.done $0x0  }
0xc0: {  	[sflag:s26] =	ssyncadd.s32 $0xFFFFC000  }
0xc1: {  	[spmem:s1] =	stream.indirect.scatter.add.f32 [tilespmem:s21], [sflag:$0x3], $0x80, s30, s24, $0xb8;
	[tilespmem:$0x1E800] =	vst v63  }
0xc2: {  	_ =	swait.ge [sflag:s22], $0x4000  }
0xc3: {  	[sflag:s22] =	ssyncset.done $0x0  }
0xc4: {  	[sflag:s22] =	ssyncadd.s32 $0xFFFFC000  }
0xc5: {  	[tilespmem:s21], [sflag:$0x1] =	stream.indirect.gather [hbm4b:s4+s24], $0x80, s29, s24, $0xb8;
	[tilespmem:$0x1E800] =	vst v63  }
0xc6: {  	_ =	swait.ge [sflag:s28], $0x4000  }
0xc7: {  	[sflag:s28] =	ssyncset.done $0x0  }
0xc8: {  	[sflag:s28] =	ssyncadd.s32 $0xFFFFC000  }
0xc9: {  	[spmem:s1] =	stream.indirect.scatter.add.f32 [tilespmem:s25], [sflag:$0x3], $0x80, s31, s24, $0xb8;
	[tilespmem:$0x1E800] =	vst v63  }
0xca: {  	_ =	swait.ge [sflag:s22], $0x4000  }
0xcb: {  	[sflag:s22] =	ssyncset.done $0x0  }
0xcc: {  	[sflag:s22] =	ssyncadd.s32 $0xFFFFC000  }
0xcd: {  	_ =	swait.ge [sflag:s26], $0x4000  }
0xce: {  	[sflag:s26] =	ssyncset.done $0x0  }
0xcf: {  	[sflag:s26] =	ssyncadd.s32 $0xFFFFC000  }
0xd0: {  	[bflag:$0x0] =	sbarrier.arrive $0xFFFF  }
0xd1: {  	[tilespmem:s21], [sflag:$0x3] =	stream.linear.gather [spmem:s6], $0x4000, $0x38;
	[tilespmem:$0x1E800] =	vst v63  }
0xd2: {  	_ =	swait.ge [sflag:s22], $0x4000  }
0xd3: {  	[sflag:s22] =	ssyncset.done $0x0  }
0xd4: {  	s11 =	rddreg [dreg:$0x6];
	[sflag:s22] =	ssyncadd.s32 $0xFFFFC000  }
0xd5: {  	[hbm4b:s11+s3] =	stream.linear.scatter [tilespmem:s21], [sflag:$0x3], $0x4000, $0x38;
	[tilespmem:$0x1E800] =	vst v63  }
0xd6: {  	_ =	swait.ge [sflag:s22], $0x4000  }
0xd7: {  	[sflag:s22] =	ssyncset.done $0x0  }
0xd8: {  	[sflag:s22] =	ssyncadd.s32 $0xFFFFC000  }
0xd9: {  	[tilespmem:s21], [sflag:$0x3] =	stream.linear.gather [spmem:s7], $0x4000, $0x38;
	[tilespmem:$0x1E800] =	vst v63  }
0xda: {  	_ =	swait.ge [sflag:s22], $0x4000  }
0xdb: {  	[sflag:s22] =	ssyncset.done $0x0  }
0xdc: {  	s12 =	rddreg [dreg:$0x7];
	[sflag:s22] =	ssyncadd.s32 $0xFFFFC000  }
0xdd: {  	[hbm4b:s12+s3] =	stream.linear.scatter [tilespmem:s21], [sflag:$0x3], $0x4000, $0x38;
	[tilespmem:$0x1E800] =	vst v63  }
0xde: {  	_ =	swait.ge [sflag:s22], $0x4000  }
0xdf: {  	[sflag:s22] =	ssyncset.done $0x0  }
0xe0: {  	[sflag:s22] =	ssyncadd.s32 $0xFFFFC000  }
0xe1: {  	[tilespmem:s21], [sflag:$0x3] =	stream.linear.gather [spmem:s8], $0x4000, $0x38;
	[tilespmem:$0x1E800] =	vst v63  }
0xe2: {  	_ =	swait.ge [sflag:s22], $0x4000  }
0xe3: {  	[sflag:s22] =	ssyncset.done $0x0  }
0xe4: {  	s13 =	rddreg [dreg:$0x8];
	[sflag:s22] =	ssyncadd.s32 $0xFFFFC000  }
0xe5: {  	[hbm4b:s13+s3] =	stream.linear.scatter [tilespmem:s21], [sflag:$0x3], $0x4000, $0x38;
	[tilespmem:$0x1E800] =	vst v63  }
0xe6: {  	_ =	swait.ge [sflag:s22], $0x4000  }
0xe7: {  	[sflag:s22] =	ssyncset.done $0x0  }
0xe8: {  	[sflag:s22] =	ssyncadd.s32 $0xFFFFC000  }
0xe9: {  	[tilespmem:s21], [sflag:$0x3] =	stream.linear.gather [spmem:s9], $0x4000, $0x38;
	[tilespmem:$0x1E800] =	vst v63  }
0xea: {  	_ =	swait.ge [sflag:s22], $0x4000  }
0xeb: {  	[sflag:s22] =	ssyncset.done $0x0  }
0xec: {  	[sflag:s22] =	ssyncadd.s32 $0xFFFFC000  }
0xed: {  	[hbm4b:s14+s3] =	stream.linear.scatter [tilespmem:s21], [sflag:$0x3], $0x4000, $0x38;
	[tilespmem:$0x1E800] =	vst v63  }
0xee: {  	_ =	swait.ge [sflag:s22], $0x4000  }
0xef: {  	[sflag:s22] =	ssyncset.done $0x0  }
0xf0: {  	[sflag:s22] =	ssyncadd.s32 $0xFFFFC000  }
0xf1: {  	[tilespmem:s21], [sflag:$0x3] =	stream.linear.gather [spmem:s10], $0x4000, $0x38;
	[tilespmem:$0x1E800] =	vst v63  }
0xf2: {  	s0 =	sadd.s32 $0x1, s0;
	_ =	swait.ge [sflag:s22], $0x4000  }
0xf3: {  	p0 =	sne.s32 s0, s16;
	[sflag:s22] =	ssyncset.done $0x0  }
.Ltmp2:
0xf4: {  	[sflag:s22] =	ssyncadd.s32 $0xFFFFC000;
	(pc) =	sbr.rel @p0 .LBB2_1-.Ltmp2, $4  }
0xf5: {  	[hbm4b:s15+s3] =	stream.linear.scatter [tilespmem:s21], [sflag:$0x3], $0x4000, $0x38;
	[tilespmem:$0x1E800] =	vst v63  }
0xf6: {  	_ =	swait.ge [sflag:s22], $0x4000  }
0xf7: {  	[sflag:s22] =	ssyncset.done $0x0  }
0xf8: {  	[sflag:s22] =	ssyncadd.s32 $0xFFFFC000  }
0xf9: {  	_ =	sfence.sel $0x180000  }
0xfa: {  	[bflag:$0x0] =	sbarrier.arrive $0xFFFF  }
0xfb: {  	_ =	strace $0x9000004A  }
0xfc: {  	s0 =	stileid.u32;
	[bflag:$0x2] =	sbarrier.arrive $0xFFFF  }
0xfd: {  	p0 =	sne.s32 s0, $0x0;
	s0 =	rddreg [dreg:$0x4]  }
0xfe: {  	s0 =	sadd.s32 @!p0 $0x100000, s0  }
0xff: {  	[sflag:s0] =	ssyncadd.tile.s32 @!p0 $0x1;
	_ =	shalt  }
.Lfunc_end2:
_tile_overlayer_lowered:
.L_overlay_start_2:
0x100: {  	(tag) =	ssettag $0x2  }
0x101: {  	s0 =	rddreg [dreg:$0x0];
	s2 =	stileid.u32  }
0x102: {  	s1 =	rddreg [dreg:$0x1];
	p0 =	sne.s32 s2, $0x0  }
0x103: {  	s3 =	rddreg [dreg:$0x2];
	[bflag:$0x3] =	sbarrier.arrive $0xFFFF;
	s2 =	simm.s32 @!p0 $0x1C03  }
0x104: {  	[timem:s3], [sflag:s2] =	dma.local @!p0 [hbm:s0], s1  }
0x105: {  	s0 =	simm.s32 @!p0 $0x3  }
0x106: {  	_ =	swait.ge @!p0 [sflag:s0], s1  }
0x107: {  	s1 =	ssub.s32 @!p0 $0x0, s1;
	[sflag:s0] =	ssyncset.done @!p0 $0x0  }
0x108: {  	[sflag:s0] =	ssyncadd.s32 @!p0 s1  }
0x109: {  	[bflag:$0x3] =	sbarrier.arrive $0xFFFF  }
0x10a: {  	_ =	shalt  }

// kernel: kernel.14.cloned.1.call-start
scs
__scs_entry_jumppad:
0x0: {  	(pc) =	sbr.rel $0x88, $3  }
0x1: {  	(tag) =	ssettag $0x0;
	lr =	simm.s32 $0x1  }
0x2: {  	[smem:$0x3F97] =	sst lr;
	_ =	strace $0xD0000000  }
0x3: {  	_ = 	snop  }
0x4: {  	_ = 	snop  }
0x5: {  	_ = 	snop  }
0x6: {  	_ = 	snop  }
0x7: {  	_ = 	snop  }
__scs_overlays_trampoline_lowered:
0x8: {  	[smem:$0x3FA6] =	sst s0  }
0x9: {  	[smem:$0x3FA7] =	sst s1  }
0xa: {  	[smem:$0x3FA8] =	sst s2  }
0xb: {  	[smem:$0x3FA9] =	sst s3  }
0xc: {  	[smem:$0x3FAA] =	sst s4  }
0xd: {  	[smem:$0x3FAB] =	sst s5  }
0xe: {  	[smem:$0x3FAC] =	sst s6  }
0xf: {  	[smem:$0x3FAD] =	sst s7  }
0x10: {  	[smem:$0x3FAE] =	sst s8  }
0x11: {  	[smem:$0x3FAF] =	sst s9;
	s0 =	simm.s32 @!p0 $0x0  }
0x12: {  	s1 =	sld [smem:$0x3F95];
	s0 =	simm.s32 @p0 $0x1  }
0x13: {  	[smem:$0x3FB0] =	sst s0;
	s0 =	simm.s32 @!p1 $0x0  }
0x14: {  	s2 =	sld [smem:$0x3F94];
	s0 =	simm.s32 @p1 $0x1  }
0x15: {  	[smem:$0x3FB1] =	sst s0;
	s0 =	simm.s32 @!p2 $0x0  }
0x16: {  	s3 =	sld [smem:$0x3FDB];
	s0 =	simm.s32 @p2 $0x1  }
0x17: {  	s4 =	simm.s32 $0x1BF5;
	[smem:$0x3FB3] =	sst s0  }
0x18: {  	s0 =	sld [smem:$0x3F96];
	_ =	swait.ge [sflag:s4], $0x0  }
0x19: {  	s7 =	sld [smem:$0x3F97]  }
0x1a: {  	s8 =	sadd.s32 $0xFFFFE003, lr  }
0x1b: {  	s9 =	sadd.s32 $0xFFFFFEF7, lr;
	s5 =	simm.s32 $0xFFFFFFFF;
	p2 =	slt.u32 s8, $0xFFFFF086  }
0x1c: {  	p1 =	slt.u32 s9, $0xF7A;
	s5 =	simm.s32 @!p2 $0x0  }
0x1d: {  	s5 =	simm.s32 @p1 $0x1;
	p0 =	seq.s32 s7, s2  }
0x1e: {  	s7 =	smul.u32 @!p0 $0xF7A, s2;
	p2 =	seq.s32 @!p0 s5, $0x0  }
0x1f: {  	s9 =	smul.u32 $0xF7A, s1;
	s8 =	simm.s32 @!p0 $0x1BF5;
	p2 =	por !p2, p0  }
0x20: {  	[sflag:s8] =	ssyncset.s32 @!p0 $0xFFFFF086;
	s6 =	sadd.s32 @!p0 s3, s7;
	s7 =	simm.s32 @!p0 $0x108  }
0x21: {  	s3 =	sadd.s32 s3, s9;
	s6 =	sadd.s32 @!p0 $0x88, s6;
	s7 =	simm.s32 @p2 $0x1082  }
0x22: {  	[simem:s7], [sflag:s8] =	dma.local @!p0 [hbm:s6], $0xF7A  }
0x23: {  	s9 =	sor.u32 $0xD0000000, s2;
	s6 =	simm.s32 $0x108;
	_ =	swait.ge @!p0 [sflag:s8], $0x0  }
0x24: {  	s3 =	sadd.s32 $0x88, s3;
	s6 =	simm.s32 @!p1 $0x1082;
	[sflag:s4] =	ssyncset.s32 $0xFFFFF086  }
0x25: {  	[simem:s6], [sflag:s4] =	dma.local [hbm:s3], $0xF7A  }
0x26: {  	[smem:$0x3F97] =	sst s1;
	(tag) =	ssettag s2;
	_ =	strace s9  }
0x27: {  	s1 =	sld [smem:$0x3FA7]  }
0x28: {  	s2 =	sld [smem:$0x3FA8]  }
0x29: {  	s4 =	sld [smem:$0x3FAA]  }
0x2a: {  	p0 =	seq.s32 s5, $0x0;
	s5 =	sld [smem:$0x3FAB]  }
0x2b: {  	s6 =	sld [smem:$0x3FAC]  }
0x2c: {  	s7 =	sld [smem:$0x3FAD]  }
0x2d: {  	s3 =	simm.s32 $0x108;
	s8 =	sld [smem:$0x3FAE]  }
0x2e: {  	s3 =	simm.s32 @!p0 $0x1082;
	s9 =	sld [smem:$0x3FAF]  }
0x2f: {  	lr =	sadd.s32 s0, s3;
	s0 =	sld [smem:$0x3FA6]  }
0x30: {  	s3 =	sld [smem:$0x3FA9]  }
0x31: {  	[smem:$0x3FB2] =	sst s10  }
0x32: {  	s10 =	sld [smem:$0x3FB0];
	_ =	sdelay $0x3  }
0x33: {  	p0 =	seq.s32 s10, $0x1;
	s10 =	sld [smem:$0x3FB2];
	_ =	sdelay $0x3  }
0x34: {  	[smem:$0x3FB2] =	sst s10  }
0x35: {  	s10 =	sld [smem:$0x3FB1];
	_ =	sdelay $0x3  }
0x36: {  	p1 =	seq.s32 s10, $0x1;
	s10 =	sld [smem:$0x3FB2];
	_ =	sdelay $0x3  }
0x37: {  	[smem:$0x3FB2] =	sst s10  }
0x38: {  	s10 =	sld [smem:$0x3FB3]  }
0x39: {  	_ = 	snop;
	(pc) =	sbr.ind lr, $3  }
0x3a: {  	_ = 	snop  }
0x3b: {  	_ = 	snop  }
0x3c: {  	p2 =	seq.s32 s10, $0x1;
	s10 =	sld [smem:$0x3FB2]  }
0x3d: {  	_ =	shalt  }
0x3e: {  	_ =	shalt  }
0x3f: {  	_ =	shalt  }
0x40: {  	_ =	shalt  }
0x41: {  	_ =	shalt  }
0x42: {  	_ =	shalt  }
0x43: {  	_ =	shalt  }
0x44: {  	_ =	shalt  }
0x45: {  	_ =	shalt  }
0x46: {  	_ =	shalt  }
0x47: {  	_ =	shalt  }
0x48: {  	_ =	shalt  }
0x49: {  	_ =	shalt  }
0x4a: {  	_ =	shalt  }
0x4b: {  	_ =	shalt  }
0x4c: {  	_ =	shalt  }
0x4d: {  	_ =	shalt  }
0x4e: {  	_ =	shalt  }
0x4f: {  	_ =	shalt  }
0x50: {  	_ =	shalt  }
0x51: {  	_ =	shalt  }
0x52: {  	_ =	shalt  }
0x53: {  	_ =	shalt  }
0x54: {  	_ =	shalt  }
0x55: {  	_ =	shalt  }
0x56: {  	_ =	shalt  }
0x57: {  	_ =	shalt  }
0x58: {  	_ =	shalt  }
0x59: {  	_ =	shalt  }
0x5a: {  	_ =	shalt  }
0x5b: {  	_ =	shalt  }
0x5c: {  	_ =	shalt  }
0x5d: {  	_ =	shalt  }
0x5e: {  	_ =	shalt  }
0x5f: {  	_ =	shalt  }
0x60: {  	_ =	shalt  }
0x61: {  	_ =	shalt  }
0x62: {  	_ =	shalt  }
0x63: {  	_ =	shalt  }
0x64: {  	_ =	shalt  }
0x65: {  	_ =	shalt  }
0x66: {  	_ =	shalt  }
0x67: {  	_ =	shalt  }
0x68: {  	_ =	shalt  }
0x69: {  	_ =	shalt  }
0x6a: {  	_ =	shalt  }
0x6b: {  	_ =	shalt  }
0x6c: {  	_ =	shalt  }
0x6d: {  	_ =	shalt  }
0x6e: {  	_ =	shalt  }
0x6f: {  	_ =	shalt  }
0x70: {  	_ =	shalt  }
0x71: {  	_ =	shalt  }
0x72: {  	_ =	shalt  }
0x73: {  	_ =	shalt  }
0x74: {  	_ =	shalt  }
0x75: {  	_ =	shalt  }
0x76: {  	_ =	shalt  }
0x77: {  	_ =	shalt  }
0x78: {  	_ =	shalt  }
0x79: {  	_ =	shalt  }
0x7a: {  	_ =	shalt  }
0x7b: {  	_ =	shalt  }
0x7c: {  	_ =	shalt  }
0x7d: {  	_ =	shalt  }
0x7e: {  	_ =	shalt  }
0x7f: {  	_ =	shalt  }
0x80: {  	_ =	shalt  }
0x81: {  	_ =	shalt  }
0x82: {  	_ =	shalt  }
0x83: {  	_ =	shalt  }
0x84: {  	_ =	shalt  }
0x85: {  	_ =	shalt  }
0x86: {  	_ =	shalt  }
0x87: {  	_ =	shalt  }
.Lfunc_end0:
.L_simem_size_0:
called_computation.2_lowered:
.L_overlay_start_0:
0x88: {  	s2 =	sld [smem:$0x3FD9]  }
0x89: {  	s3 =	sld [smem:$0x3FFE];
	_ =	sdelay $0x1  }
0x8a: {  	s1 =	srdreg.scid  }
0x8b: {  	s0 =	sand.u32 $0x1, s1  }
0x8c: {  	s14 =	sshll.u32 s0, $0xA;
	s2 =	sadd.s32 s3, s2  }
0x8d: {  	s2 =	sadd.s32 s2, s14  }
0x8e: {  	[smem:$0x3FBE] =	sst s2  }
0x8f: {  	_ = 	snop  }
0x90: {  	s2 =	sld [smem:$0x3FD0];
	_ =	sdelay $0x2  }
0x91: {  	s15 =	simm.s32 $0xA;
	s4 =	simm.s32 $0x10  }
0x92: {  	[smem:s4], [sflag:s15] =	dma.local [hbm:s2], $0x1  }
0x93: {  	_ =	swait.eq [sflag:s15], $0x1  }
0x94: {  	[sflag:s15] =	ssyncset.done $0x0  }
0x95: {  	s16 =	sld [smem:$0x10];
	[sflag:s15] =	ssyncadd.s32 $0xFFFFFFFF  }
0x96: {  	s17 =	sld [smem:$0x11];
	(tm) =	ssettm $0x1  }
0x97: {  	s18 =	sld [smem:$0x3FFB];
	_ =	sdelay $0x3  }
0x98: {  	_ =	strace s18  }
0x99: {  	s4 =	sld [smem:$0x3FFC];
	_ =	sdelay $0x3  }
0x9a: {  	_ =	strace s4  }
0x9b: {  	s4 =	sld [smem:$0x3FFD];
	_ =	sdelay $0x3  }
0x9c: {  	_ =	strace s4  }
0x9d: {  	_ =	strace $0x8FFFFFFF  }
0x9e: {  	s19 =	sld [smem:$0x3FDB];
	_ =	sdelay $0x1  }
0x9f: {  	s5 =	simm.s32 $_scs_section_size  }
0xa0: {  	s6 =	simm.s32 $_size__tile_overlayer_lowered;
	s7 =	simm.s32 $_tile_overlayer_lowered  }
0xa1: {  	s22 =	simm.s32 $0x1BFF;
	s21 =	sshll.u32 s7, $0x1;
	s4 =	sadd.s32 s5, s19  }
0xa2: {  	s8 =	simm.s32 $0x0;
	s20 =	sshll.u32 s6, $0x1;
	s6 =	sadd.s32 s21, s4  }
0xa3: {  	[timem:s8], [sflag:s22] =	dma.local [hbm:s6], s20  }
0xa4: {  	_ =	swait.ge [sflag:s22], s20  }
0xa5: {  	s5 =	ssub.s32 $0x0, s20;
	[sflag:s22] =	ssyncset.done $0x0  }
0xa6: {  	[sflag:s22] =	ssyncadd.s32 s5;
	_ =	sdelay $0x1  }
0xa7: {  	s23 =	simm.s32 $0x1B8B  }
0xa8: {  	_ =	swait.ge [sflag:s23], $0x1  }
0xa9: {  	[sflag:s23] =	ssyncset.done $0x0  }
0xaa: {  	s25 =	simm.s32 $0x1B8E;
	s24 =	sld [smem:$0x3FFE];
	[sflag:s23] =	ssyncadd.s32 $0xFFFFFFFF  }
0xab: {  	s26 =	simm.s32 $execute0_lowered;
	[smem:$0x3FD2] =	sst s25  }
0xac: {  	s6 =	sshll.u32 s26, $0x1;
	_ =	strace $0x8000004C;
	[dreg:$0x1] =	wrdreg $0xFFFFFFFF  }
0xad: {  	s28 =	simm.s32 $_size_execute0_lowered;
	s4 =	sadd.s32 s4, s6;
	[dreg:$0x0] =	wrdreg $0x0  }
0xae: {  	s6 =	sshll.u32 s28, $0x1;
	[dreg:$0x2] =	wrdreg s4  }
0xaf: {  	[dreg:$0x3] =	wrdreg s6  }
0xb0: {  	[dreg:$0x4] =	wrdreg $0xC0  }
0xb1: {  	_ =	task [dreg:s8], $0x5FFFF  }
0xb2: {  	[dreg:$0x1] =	wrdreg $0xFFFFFFFF  }
0xb3: {  	[dreg:$0x0] =	wrdreg $0x60  }
0xb4: {  	[dreg:$0x2] =	wrdreg s24  }
0xb5: {  	[dreg:$0x3] =	wrdreg s16  }
0xb6: {  	[dreg:$0x4] =	wrdreg s17  }
0xb7: {  	[dreg:$0x5] =	wrdreg $0xA8000  }
0xb8: {  	[dreg:$0x6] =	wrdreg $0x9  }
0xb9: {  	_ =	task.clear_ibuf [dreg:s8], $0x7FFFF;
	_ =	strace $0x9000004C  }
0xba: {  	s29 =	simm.s32 $0x9;
	_ =	strace $0x8000004E  }
0xbb: {  	_ =	swait.ge [sflag:s29], $0x1  }
0xbc: {  	[sflag:s29] =	ssyncadd.s32 $0xFFFFFFFF  }
0xbd: {  	_ =	strace $0x9000004E  }
0xbe: {  	_ =	sfence  }
0xbf: {  	s30 =	sld [smem:$0x0];
	_ =	sdelay $0x2  }
0xc0: {  	s31 =	sshll.u32 s1, $0xD;
	s1 =	sshrl.u32 s1, $0x2  }
0xc1: {  	s3 =	sand.u32 $0x4000, s31;
	s1 =	sadd.s32 s1, s30  }
0xc2: {  	s0 =	sor.u32 s3, s0;
	s1 =	sshll.u32 s1, $0x11  }
0xc3: {  	s0 =	sor.u32 s1, s0  }
0xc4: {  	s0 =	sadd.s32 $0x8F2B, s0  }
0xc5: {  	[sflag:s0] =	ssyncadd.remote.s32 $0x1  }
0xc6: {  	_ =	sfence.sel $0xFFFF  }
0xc7: {  	[dreg:$0x0] =	wrdreg $0xFFFFFFFF;
	(pc) =	sbr.abs _section_cstart, $3  }
0xc8: {  	[dreg:$0x1] =	wrdreg $0xFFFFFFFF  }
0xc9: {  	_ =	task.clear_ibuf [dreg:s8], $0x2FFFF;
	_ =	strace $0x9FFFFFFF  }
0xca: {  	(tm) =	ssettm $0x7FFFFFFF  }
0xcb: {  	_ =	shalt  }
tec
execute0_lowered:
.L_overlay_start_1:
0x0: {  	(tag) =	ssettag $0x1  }
0x1: {  	s0 =	rddreg [dreg:$0x0]  }
0x2: {  	s2 =	rddreg [dreg:$0x1]  }
0x3: {  	s5 =	rddreg [dreg:$0x2]  }
0x4: {  	s1 =	rddreg [dreg:$0x3];
	s3 =	simm.s32 $0x0  }
0x5: {  	s4 =	srdreg.scid;
	s12 =	stileid.u32;
	s28 =	simm.s32 $0x2  }
0x6: {  	s29 =	simm.s32 $0x1380;
	s30 =	simm.s32 $0x2700;
	s31 =	simm.s32 $0x2780  }
0x7: {  	[smem:$0x7FF] =	sst s3;
	s7 =	sand.u32 $0x1, s4;
	s4 =	sadd.s32 $0x2E00, s0  }
0x8: {  	s8 =	smul.u32 $0x50000, s12;
	s9 =	sadd.s32 $0x2AE00, s0;
	s0 =	sadd.s32 $0x2B600, s0  }
0x9: {  	s11 =	smul.u32 $0x14000, s12;
	_ =	strace $0x8000004D;
	s6 =	ssub.s32 $0x2, s7  }
0xa: {  	[dreg:$0x5] =	wrdreg s9;
	s10 =	sshll.u32 s7, $0x4;
	s15 =	smul.u32 $0x140000, s7  }
0xb: {  	s21 =	sshrl.u32 s6, $0x1;
	s8 =	sshrl.u32 s8, $0x2;
	s13 =	sor.u32 s12, s10  }
0xc: {  	s22 =	sadd.s32 $0x4000, s11;
	s14 =	sadd.s32 $0x8000, s11;
	s17 =	sadd.s32 $0xC000, s11  }
0xd: {  	s18 =	sadd.s32 $0x10000, s11;
	s16 =	ssub.s32 s6, s21;
	s6 =	sadd.s32 s8, s1  }
0xe: {  	s7 =	sadd.s32 s22, s1;
	s8 =	sadd.s32 s14, s1;
	s9 =	sadd.s32 s17, s1  }
0xf: {  	s11 =	sadd.s32 s11, s15;
	s10 =	sadd.s32 s18, s1;
	s12 =	sadd.s32 s15, s22  }
0x10: {  	s14 =	sadd.s32 s15, s14;
	s17 =	sadd.s32 s15, s17;
	s15 =	sadd.s32 s15, s18  }
0x11: {  	s24 =	smul.u32 $0x500, s13;
	s21 =	simm.s32 $0x2800;
	s22 =	simm.s32 $0x3  }
0x12: {  	s11 =	sshrl.u32 s11, $0x3;
	s12 =	sshrl.u32 s12, $0x3;
	s14 =	sshrl.u32 s14, $0x3  }
0x13: {  	s17 =	sshrl.u32 s17, $0x3;
	s15 =	sshrl.u32 s15, $0x3;
	s16 =	smax.u32 s16, $0x1  }
0x14: {  	s11 =	sadd.s32 s0, s11;
	s23 =	sadd.s32 s0, s12;
	s25 =	sadd.s32 s0, s14  }
0x15: {  	s14 =	sadd.s32 s0, s17;
	s15 =	sadd.s32 s0, s15;
	s26 =	sadd.s32 $0x280, s24  }
0x16: {  	s17 =	sadd.s32 s2, s24;
	s18 =	sadd.s32 s5, s24;
	[dreg:$0x6] =	wrdreg s11  }
0x17: {  	s24 =	simm.s32 $0x80;
	s0 =	simm.s32 $0x0;
	[dreg:$0x7] =	wrdreg s23  }
0x18: {  	[dreg:$0x8] =	wrdreg s25;
	s19 =	sadd.s32 s2, s26;
	s20 =	sadd.s32 s5, s26  }
0x19: {  	s23 =	simm.s32 $0x1400;
	s25 =	simm.s32 $0x6800;
	s26 =	simm.s32 $0x1  }
.LBB2_1:
0x1a: {  	s2 =	rddreg [dreg:$0x5]  }
0x1b: {  	[tilespmem:s21], [sflag:$0x3] =	stream.linear.gather [hbm4b:s2+s3], $0x4000, $0x38;
	[tilespmem:$0x1E800] =	vst v63  }
0x1c: {  	_ =	swait.ge [sflag:s22], $0x4000  }
0x1d: {  	[sflag:s22] =	ssyncset.done $0x0  }
0x1e: {  	[sflag:s22] =	ssyncadd.s32 $0xFFFFC000  }
0x1f: {  	[spmem:s6] =	stream.linear.scatter [tilespmem:s21], [sflag:$0x3], $0x4000, $0x38;
	[tilespmem:$0x1E800] =	vst v63  }
0x20: {  	_ =	swait.ge [sflag:s22], $0x4000  }
0x21: {  	[sflag:s22] =	ssyncset.done $0x0  }
0x22: {  	[sflag:s22] =	ssyncadd.s32 $0xFFFFC000  }
0x23: {  	[spmem:s7] =	stream.linear.scatter [tilespmem:s21], [sflag:$0x3], $0x4000, $0x38;
	[tilespmem:$0x1E800] =	vst v63  }
0x24: {  	_ =	swait.ge [sflag:s22], $0x4000  }
0x25: {  	[sflag:s22] =	ssyncset.done $0x0  }
0x26: {  	[sflag:s22] =	ssyncadd.s32 $0xFFFFC000  }
0x27: {  	[spmem:s8] =	stream.linear.scatter [tilespmem:s21], [sflag:$0x3], $0x4000, $0x38;
	[tilespmem:$0x1E800] =	vst v63  }
0x28: {  	_ =	swait.ge [sflag:s22], $0x4000  }
0x29: {  	[sflag:s22] =	ssyncset.done $0x0  }
0x2a: {  	[sflag:s22] =	ssyncadd.s32 $0xFFFFC000  }
0x2b: {  	[spmem:s9] =	stream.linear.scatter [tilespmem:s21], [sflag:$0x3], $0x4000, $0x38;
	[tilespmem:$0x1E800] =	vst v63  }
0x2c: {  	_ =	swait.ge [sflag:s22], $0x4000  }
0x2d: {  	[sflag:s22] =	ssyncset.done $0x0  }
0x2e: {  	[sflag:s22] =	ssyncadd.s32 $0xFFFFC000  }
0x2f: {  	[spmem:s10] =	stream.linear.scatter [tilespmem:s21], [sflag:$0x3], $0x4000, $0x38;
	[tilespmem:$0x1E800] =	vst v63  }
0x30: {  	_ =	swait.ge [sflag:s22], $0x4000  }
0x31: {  	[sflag:s22] =	ssyncset.done $0x0  }
0x32: {  	[sflag:s22] =	ssyncadd.s32 $0xFFFFC000  }
0x33: {  	[bflag:$0x0] =	sbarrier.arrive $0xFFFF  }
0x34: {  	[tilespmem:s3], [sflag:$0x3] =	stream.linear.gather [hbm4b:s17+s3], $0x1400, $0x38;
	[tilespmem:$0x1E800] =	vst v63  }
0x35: {  	_ =	swait.ge [sflag:s22], $0x1400  }
0x36: {  	[sflag:s22] =	ssyncset.done $0x0  }
0x37: {  	[sflag:s22] =	ssyncadd.s32 $0xFFFFEC00  }
0x38: {  	[tilespmem:s23], [sflag:$0x3] =	stream.linear.gather [hbm4b:s18+s3], $0x1400, $0x38;
	[tilespmem:$0x1E800] =	vst v63  }
0x39: {  	_ =	swait.ge [sflag:s22], $0x1400  }
0x3a: {  	[sflag:s22] =	ssyncset.done $0x0  }
0x3b: {  	[sflag:s22] =	ssyncadd.s32 $0xFFFFEC00  }
0x3c: {  	[tilespmem:s21], [sflag:$0x1] =	stream.indirect.gather [hbm4b:s4+s24], $0x80, s3, s24, $0xb8;
	[tilespmem:$0x1E800] =	vst v63  }
0x3d: {  	s5 =	simm.s32 $0x80  }
0x3e: {  	[tilespmem:s25], [sflag:$0x2] =	stream.indirect.gather [hbm4b:s4+s24], $0x80, s5, s24, $0xb8;
	[tilespmem:$0x1E800] =	vst v63  }
0x3f: {  	_ =	swait.ge [sflag:s26], $0x4000  }
0x40: {  	[sflag:s26] =	ssyncset.done $0x0  }
0x41: {  	s11 =	simm.s32 $0x1400;
	[sflag:s26] =	ssyncadd.s32 $0xFFFFC000  }
0x42: {  	[spmem:s1] =	stream.indirect.scatter.add.f32 [tilespmem:s21], [sflag:$0x3], $0x80, s11, s24, $0xb8;
	[tilespmem:$0x1E800] =	vst v63  }
0x43: {  	_ =	swait.ge [sflag:s22], $0x4000  }
0x44: {  	[sflag:s22] =	ssyncset.done $0x0  }
0x45: {  	s12 =	simm.s32 $0x100;
	[sflag:s22] =	ssyncadd.s32 $0xFFFFC000  }
0x46: {  	[tilespmem:s21], [sflag:$0x1] =	stream.indirect.gather [hbm4b:s4+s24], $0x80, s12, s24, $0xb8;
	[tilespmem:$0x1E800] =	vst v63  }
0x47: {  	_ =	swait.ge [sflag:s28], $0x4000  }
0x48: {  	[sflag:s28] =	ssyncset.done $0x0  }
0x49: {  	s13 =	simm.s32 $0x1480;
	[sflag:s28] =	ssyncadd.s32 $0xFFFFC000  }
0x4a: {  	[spmem:s1] =	stream.indirect.scatter.add.f32 [tilespmem:s25], [sflag:$0x3], $0x80, s13, s24, $0xb8;
	[tilespmem:$0x1E800] =	vst v63  }
0x4b: {  	_ =	swait.ge [sflag:s22], $0x4000  }
0x4c: {  	s2 =	simm.s32 $0x100;
	s5 =	simm.s32 $0x800;
	[sflag:s22] =	ssyncset.done $0x0  }
.LBB2_2:
0x4d: {  	s11 =	sadd.s32 $0x80, s2  }
0x4e: {  	[sflag:s22] =	ssyncadd.s32 $0xFFFFC000;
	s12 =	smov.u32 s5;
	s13 =	sadd.s32 $0x400, s5  }
0x4f: {  	[tilespmem:s25], [sflag:$0x2] =	stream.indirect.gather [hbm4b:s4+s24], $0x80, s11, s24, $0xb8;
	[tilespmem:$0x1E800] =	vst v63  }
0x50: {  	p0 =	sne.s32 s5, $0x4800;
	_ =	swait.ge [sflag:s26], $0x4000  }
0x51: {  	[sflag:s26] =	ssyncset.done $0x0  }
0x52: {  	s5 =	sadd.s32 $0x1400, s2;
	[sflag:s26] =	ssyncadd.s32 $0xFFFFC000  }
0x53: {  	[spmem:s1] =	stream.indirect.scatter.add.f32 [tilespmem:s21], [sflag:$0x3], $0x80, s5, s24, $0xb8;
	[tilespmem:$0x1E800] =	vst v63  }
0x54: {  	_ =	swait.ge [sflag:s22], $0x4000  }
0x55: {  	[sflag:s22] =	ssyncset.done $0x0  }
0x56: {  	s5 =	sadd.s32 $0x100, s2;
	[sflag:s22] =	ssyncadd.s32 $0xFFFFC000  }
0x57: {  	[tilespmem:s21], [sflag:$0x1] =	stream.indirect.gather [hbm4b:s4+s24], $0x80, s5, s24, $0xb8;
	[tilespmem:$0x1E800] =	vst v63  }
0x58: {  	_ =	swait.ge [sflag:s28], $0x4000  }
.Ltmp0:
0x59: {  	[sflag:s28] =	ssyncset.done $0x0;
	(pc) =	sbr.rel @p0 .LBB2_2-.Ltmp0, $4  }
0x5a: {  	s2 =	sadd.s32 $0x1480, s2;
	[sflag:s28] =	ssyncadd.s32 $0xFFFFC000  }
0x5b: {  	[spmem:s1] =	stream.indirect.scatter.add.f32 [tilespmem:s25], [sflag:$0x3], $0x80, s2, s24, $0xb8;
	[tilespmem:$0x1E800] =	vst v63  }
0x5c: {  	_ =	swait.ge [sflag:s22], $0x4000  }
0x5d: {  	s5 =	smov.u32 s13;
	s2 =	sshra.s32 s12, $0x2;
	[sflag:s22] =	ssyncset.done $0x0  }
0x5e: {  	s5 =	sadd.s32 $0x80, s2;
	[sflag:s22] =	ssyncadd.s32 $0xFFFFC000  }
0x5f: {  	[tilespmem:s25], [sflag:$0x2] =	stream.indirect.gather [hbm4b:s4+s24], $0x80, s5, s24, $0xb8;
	[tilespmem:$0x1E800] =	vst v63  }
0x60: {  	_ =	swait.ge [sflag:s26], $0x4000  }
0x61: {  	[sflag:s26] =	ssyncset.done $0x0  }
0x62: {  	s13 =	sadd.s32 $0x1400, s2;
	[sflag:s26] =	ssyncadd.s32 $0xFFFFC000  }
0x63: {  	[spmem:s1] =	stream.indirect.scatter.add.f32 [tilespmem:s21], [sflag:$0x3], $0x80, s13, s24, $0xb8;
	[tilespmem:$0x1E800] =	vst v63  }
0x64: {  	_ =	swait.ge [sflag:s22], $0x4000  }
0x65: {  	[sflag:s22] =	ssyncset.done $0x0  }
0x66: {  	s11 =	sadd.s32 $0x100, s2;
	[sflag:s22] =	ssyncadd.s32 $0xFFFFC000  }
0x67: {  	[tilespmem:s21], [sflag:$0x1] =	stream.indirect.gather [hbm4b:s4+s24], $0x80, s11, s24, $0xb8;
	[tilespmem:$0x1E800] =	vst v63  }
0x68: {  	_ =	swait.ge [sflag:s28], $0x4000  }
0x69: {  	[sflag:s28] =	ssyncset.done $0x0  }
0x6a: {  	s12 =	sadd.s32 $0x1480, s2;
	[sflag:s28] =	ssyncadd.s32 $0xFFFFC000  }
0x6b: {  	[spmem:s1] =	stream.indirect.scatter.add.f32 [tilespmem:s25], [sflag:$0x3], $0x80, s12, s24, $0xb8;
	[tilespmem:$0x1E800] =	vst v63  }
0x6c: {  	_ =	swait.ge [sflag:s22], $0x4000  }
0x6d: {  	[sflag:s22] =	ssyncset.done $0x0  }
0x6e: {  	[sflag:s22] =	ssyncadd.s32 $0xFFFFC000  }
0x6f: {  	[tilespmem:s25], [sflag:$0x2] =	stream.indirect.gather [hbm4b:s4+s24], $0x80, s29, s24, $0xb8;
	[tilespmem:$0x1E800] =	vst v63  }
0x70: {  	_ =	swait.ge [sflag:s26], $0x4000  }
0x71: {  	[sflag:s26] =	ssyncset.done $0x0  }
0x72: {  	[sflag:s26] =	ssyncadd.s32 $0xFFFFC000  }
0x73: {  	[spmem:s1] =	stream.indirect.scatter.add.f32 [tilespmem:s21], [sflag:$0x3], $0x80, s30, s24, $0xb8;
	[tilespmem:$0x1E800] =	vst v63  }
0x74: {  	_ =	swait.ge [sflag:s22], $0x4000  }
0x75: {  	[sflag:s22] =	ssyncset.done $0x0  }
0x76: {  	[sflag:s22] =	ssyncadd.s32 $0xFFFFC000  }
0x77: {  	[tilespmem:s21], [sflag:$0x1] =	stream.indirect.gather [hbm4b:s4+s24], $0x80, s29, s24, $0xb8;
	[tilespmem:$0x1E800] =	vst v63  }
0x78: {  	_ =	swait.ge [sflag:s28], $0x4000  }
0x79: {  	[sflag:s28] =	ssyncset.done $0x0  }
0x7a: {  	[sflag:s28] =	ssyncadd.s32 $0xFFFFC000  }
0x7b: {  	[spmem:s1] =	stream.indirect.scatter.add.f32 [tilespmem:s25], [sflag:$0x3], $0x80, s31, s24, $0xb8;
	[tilespmem:$0x1E800] =	vst v63  }
0x7c: {  	_ =	swait.ge [sflag:s22], $0x4000  }
0x7d: {  	[sflag:s22] =	ssyncset.done $0x0  }
0x7e: {  	[sflag:s22] =	ssyncadd.s32 $0xFFFFC000  }
0x7f: {  	_ =	swait.ge [sflag:s26], $0x4000  }
0x80: {  	[sflag:s26] =	ssyncset.done $0x0  }
0x81: {  	s13 =	simm.s32 $0x0;
	[sflag:s26] =	ssyncadd.s32 $0xFFFFC000  }
0x82: {  	[tilespmem:s13], [sflag:$0x3] =	stream.linear.gather [hbm4b:s19+s13], $0x1400, $0x38;
	[tilespmem:$0x1E800] =	vst v63  }
0x83: {  	_ =	swait.ge [sflag:s22], $0x1400  }
0x84: {  	[sflag:s22] =	ssyncset.done $0x0  }
0x85: {  	[sflag:s22] =	ssyncadd.s32 $0xFFFFEC00  }
0x86: {  	[tilespmem:s23], [sflag:$0x3] =	stream.linear.gather [hbm4b:s20+s13], $0x1400, $0x38;
	[tilespmem:$0x1E800] =	vst v63  }
0x87: {  	_ =	swait.ge [sflag:s22], $0x1400  }
0x88: {  	[sflag:s22] =	ssyncset.done $0x0  }
0x89: {  	[sflag:s22] =	ssyncadd.s32 $0xFFFFEC00  }
0x8a: {  	[tilespmem:s21], [sflag:$0x1] =	stream.indirect.gather [hbm4b:s4+s24], $0x80, s13, s24, $0xb8;
	[tilespmem:$0x1E800] =	vst v63  }
0x8b: {  	s5 =	simm.s32 $0x80  }
0x8c: {  	[tilespmem:s25], [sflag:$0x2] =	stream.indirect.gather [hbm4b:s4+s24], $0x80, s5, s24, $0xb8;
	[tilespmem:$0x1E800] =	vst v63  }
0x8d: {  	_ =	swait.ge [sflag:s26], $0x4000  }
0x8e: {  	[sflag:s26] =	ssyncset.done $0x0  }
0x8f: {  	s11 =	simm.s32 $0x1400;
	[sflag:s26] =	ssyncadd.s32 $0xFFFFC000  }
0x90: {  	[spmem:s1] =	stream.indirect.scatter.add.f32 [tilespmem:s21], [sflag:$0x3], $0x80, s11, s24, $0xb8;
	[tilespmem:$0x1E800] =	vst v63  }
0x91: {  	_ =	swait.ge [sflag:s22], $0x4000  }
0x92: {  	[sflag:s22] =	ssyncset.done $0x0  }
0x93: {  	s12 =	simm.s32 $0x100;
	[sflag:s22] =	ssyncadd.s32 $0xFFFFC000  }
0x94: {  	[tilespmem:s21], [sflag:$0x1] =	stream.indirect.gather [hbm4b:s4+s24], $0x80, s12, s24, $0xb8;
	[tilespmem:$0x1E800] =	vst v63  }
0x95: {  	_ =	swait.ge [sflag:s28], $0x4000  }
0x96: {  	[sflag:s28] =	ssyncset.done $0x0  }
0x97: {  	s13 =	simm.s32 $0x1480;
	[sflag:s28] =	ssyncadd.s32 $0xFFFFC000  }
0x98: {  	[spmem:s1] =	stream.indirect.scatter.add.f32 [tilespmem:s25], [sflag:$0x3], $0x80, s13, s24, $0xb8;
	[tilespmem:$0x1E800] =	vst v63  }
0x99: {  	_ =	swait.ge [sflag:s22], $0x4000  }
0x9a: {  	s2 =	simm.s32 $0x100;
	s5 =	simm.s32 $0x800;
	[sflag:s22] =	ssyncset.done $0x0  }
.LBB2_4:
0x9b: {  	s11 =	sadd.s32 $0x80, s2  }
0x9c: {  	[sflag:s22] =	ssyncadd.s32 $0xFFFFC000;
	s12 =	smov.u32 s5;
	s13 =	sadd.s32 $0x400, s5  }
0x9d: {  	[tilespmem:s25], [sflag:$0x2] =	stream.indirect.gather [hbm4b:s4+s24], $0x80, s11, s24, $0xb8;
	[tilespmem:$0x1E800] =	vst v63  }
0x9e: {  	p0 =	sne.s32 s5, $0x4800;
	_ =	swait.ge [sflag:s26], $0x4000  }
0x9f: {  	[sflag:s26] =	ssyncset.done $0x0  }
0xa0: {  	s5 =	sadd.s32 $0x1400, s2;
	[sflag:s26] =	ssyncadd.s32 $0xFFFFC000  }
0xa1: {  	[spmem:s1] =	stream.indirect.scatter.add.f32 [tilespmem:s21], [sflag:$0x3], $0x80, s5, s24, $0xb8;
	[tilespmem:$0x1E800] =	vst v63  }
0xa2: {  	_ =	swait.ge [sflag:s22], $0x4000  }
0xa3: {  	[sflag:s22] =	ssyncset.done $0x0  }
0xa4: {  	s5 =	sadd.s32 $0x100, s2;
	[sflag:s22] =	ssyncadd.s32 $0xFFFFC000  }
0xa5: {  	[tilespmem:s21], [sflag:$0x1] =	stream.indirect.gather [hbm4b:s4+s24], $0x80, s5, s24, $0xb8;
	[tilespmem:$0x1E800] =	vst v63  }
0xa6: {  	_ =	swait.ge [sflag:s28], $0x4000  }
.Ltmp1:
0xa7: {  	[sflag:s28] =	ssyncset.done $0x0;
	(pc) =	sbr.rel @p0 .LBB2_4-.Ltmp1, $4  }
0xa8: {  	s2 =	sadd.s32 $0x1480, s2;
	[sflag:s28] =	ssyncadd.s32 $0xFFFFC000  }
0xa9: {  	[spmem:s1] =	stream.indirect.scatter.add.f32 [tilespmem:s25], [sflag:$0x3], $0x80, s2, s24, $0xb8;
	[tilespmem:$0x1E800] =	vst v63  }
0xaa: {  	_ =	swait.ge [sflag:s22], $0x4000  }
0xab: {  	s5 =	smov.u32 s13;
	s2 =	sshra.s32 s12, $0x2;
	[sflag:s22] =	ssyncset.done $0x0  }
0xac: {  	s5 =	sadd.s32 $0x80, s2;
	[sflag:s22] =	ssyncadd.s32 $0xFFFFC000  }
0xad: {  	[tilespmem:s25], [sflag:$0x2] =	stream.indirect.gather [hbm4b:s4+s24], $0x80, s5, s24, $0xb8;
	[tilespmem:$0x1E800] =	vst v63  }
0xae: {  	_ =	swait.ge [sflag:s26], $0x4000  }
0xaf: {  	[sflag:s26] =	ssyncset.done $0x0  }
0xb0: {  	s12 =	sadd.s32 $0x1400, s2;
	[sflag:s26] =	ssyncadd.s32 $0xFFFFC000  }
0xb1: {  	[spmem:s1] =	stream.indirect.scatter.add.f32 [tilespmem:s21], [sflag:$0x3], $0x80, s12, s24, $0xb8;
	[tilespmem:$0x1E800] =	vst v63  }
0xb2: {  	_ =	swait.ge [sflag:s22], $0x4000  }
0xb3: {  	[sflag:s22] =	ssyncset.done $0x0  }
0xb4: {  	s13 =	sadd.s32 $0x100, s2;
	[sflag:s22] =	ssyncadd.s32 $0xFFFFC000  }
0xb5: {  	[tilespmem:s21], [sflag:$0x1] =	stream.indirect.gather [hbm4b:s4+s24], $0x80, s13, s24, $0xb8;
	[tilespmem:$0x1E800] =	vst v63  }
0xb6: {  	_ =	swait.ge [sflag:s28], $0x4000  }
0xb7: {  	[sflag:s28] =	ssyncset.done $0x0  }
0xb8: {  	s5 =	sadd.s32 $0x1480, s2;
	[sflag:s28] =	ssyncadd.s32 $0xFFFFC000  }
0xb9: {  	[spmem:s1] =	stream.indirect.scatter.add.f32 [tilespmem:s25], [sflag:$0x3], $0x80, s5, s24, $0xb8;
	[tilespmem:$0x1E800] =	vst v63  }
0xba: {  	_ =	swait.ge [sflag:s22], $0x4000  }
0xbb: {  	[sflag:s22] =	ssyncset.done $0x0  }
0xbc: {  	[sflag:s22] =	ssyncadd.s32 $0xFFFFC000  }
0xbd: {  	[tilespmem:s25], [sflag:$0x2] =	stream.indirect.gather [hbm4b:s4+s24], $0x80, s29, s24, $0xb8;
	[tilespmem:$0x1E800] =	vst v63  }
0xbe: {  	_ =	swait.ge [sflag:s26], $0x4000  }
0xbf: {  	[sflag:s26] =	ssyncset.done $0x0  }
0xc0: {  	[sflag:s26] =	ssyncadd.s32 $0xFFFFC000  }
0xc1: {  	[spmem:s1] =	stream.indirect.scatter.add.f32 [tilespmem:s21], [sflag:$0x3], $0x80, s30, s24, $0xb8;
	[tilespmem:$0x1E800] =	vst v63  }
0xc2: {  	_ =	swait.ge [sflag:s22], $0x4000  }
0xc3: {  	[sflag:s22] =	ssyncset.done $0x0  }
0xc4: {  	[sflag:s22] =	ssyncadd.s32 $0xFFFFC000  }
0xc5: {  	[tilespmem:s21], [sflag:$0x1] =	stream.indirect.gather [hbm4b:s4+s24], $0x80, s29, s24, $0xb8;
	[tilespmem:$0x1E800] =	vst v63  }
0xc6: {  	_ =	swait.ge [sflag:s28], $0x4000  }
0xc7: {  	[sflag:s28] =	ssyncset.done $0x0  }
0xc8: {  	[sflag:s28] =	ssyncadd.s32 $0xFFFFC000  }
0xc9: {  	[spmem:s1] =	stream.indirect.scatter.add.f32 [tilespmem:s25], [sflag:$0x3], $0x80, s31, s24, $0xb8;
	[tilespmem:$0x1E800] =	vst v63  }
0xca: {  	_ =	swait.ge [sflag:s22], $0x4000  }
0xcb: {  	[sflag:s22] =	ssyncset.done $0x0  }
0xcc: {  	[sflag:s22] =	ssyncadd.s32 $0xFFFFC000  }
0xcd: {  	_ =	swait.ge [sflag:s26], $0x4000  }
0xce: {  	[sflag:s26] =	ssyncset.done $0x0  }
0xcf: {  	[sflag:s26] =	ssyncadd.s32 $0xFFFFC000  }
0xd0: {  	[bflag:$0x0] =	sbarrier.arrive $0xFFFF  }
0xd1: {  	[tilespmem:s21], [sflag:$0x3] =	stream.linear.gather [spmem:s6], $0x4000, $0x38;
	[tilespmem:$0x1E800] =	vst v63  }
0xd2: {  	_ =	swait.ge [sflag:s22], $0x4000  }
0xd3: {  	[sflag:s22] =	ssyncset.done $0x0  }
0xd4: {  	s11 =	rddreg [dreg:$0x6];
	[sflag:s22] =	ssyncadd.s32 $0xFFFFC000  }
0xd5: {  	[hbm4b:s11+s3] =	stream.linear.scatter [tilespmem:s21], [sflag:$0x3], $0x4000, $0x38;
	[tilespmem:$0x1E800] =	vst v63  }
0xd6: {  	_ =	swait.ge [sflag:s22], $0x4000  }
0xd7: {  	[sflag:s22] =	ssyncset.done $0x0  }
0xd8: {  	[sflag:s22] =	ssyncadd.s32 $0xFFFFC000  }
0xd9: {  	[tilespmem:s21], [sflag:$0x3] =	stream.linear.gather [spmem:s7], $0x4000, $0x38;
	[tilespmem:$0x1E800] =	vst v63  }
0xda: {  	_ =	swait.ge [sflag:s22], $0x4000  }
0xdb: {  	[sflag:s22] =	ssyncset.done $0x0  }
0xdc: {  	s12 =	rddreg [dreg:$0x7];
	[sflag:s22] =	ssyncadd.s32 $0xFFFFC000  }
0xdd: {  	[hbm4b:s12+s3] =	stream.linear.scatter [tilespmem:s21], [sflag:$0x3], $0x4000, $0x38;
	[tilespmem:$0x1E800] =	vst v63  }
0xde: {  	_ =	swait.ge [sflag:s22], $0x4000  }
0xdf: {  	[sflag:s22] =	ssyncset.done $0x0  }
0xe0: {  	[sflag:s22] =	ssyncadd.s32 $0xFFFFC000  }
0xe1: {  	[tilespmem:s21], [sflag:$0x3] =	stream.linear.gather [spmem:s8], $0x4000, $0x38;
	[tilespmem:$0x1E800] =	vst v63  }
0xe2: {  	_ =	swait.ge [sflag:s22], $0x4000  }
0xe3: {  	[sflag:s22] =	ssyncset.done $0x0  }
0xe4: {  	s13 =	rddreg [dreg:$0x8];
	[sflag:s22] =	ssyncadd.s32 $0xFFFFC000  }
0xe5: {  	[hbm4b:s13+s3] =	stream.linear.scatter [tilespmem:s21], [sflag:$0x3], $0x4000, $0x38;
	[tilespmem:$0x1E800] =	vst v63  }
0xe6: {  	_ =	swait.ge [sflag:s22], $0x4000  }
0xe7: {  	[sflag:s22] =	ssyncset.done $0x0  }
0xe8: {  	[sflag:s22] =	ssyncadd.s32 $0xFFFFC000  }
0xe9: {  	[tilespmem:s21], [sflag:$0x3] =	stream.linear.gather [spmem:s9], $0x4000, $0x38;
	[tilespmem:$0x1E800] =	vst v63  }
0xea: {  	_ =	swait.ge [sflag:s22], $0x4000  }
0xeb: {  	[sflag:s22] =	ssyncset.done $0x0  }
0xec: {  	[sflag:s22] =	ssyncadd.s32 $0xFFFFC000  }
0xed: {  	[hbm4b:s14+s3] =	stream.linear.scatter [tilespmem:s21], [sflag:$0x3], $0x4000, $0x38;
	[tilespmem:$0x1E800] =	vst v63  }
0xee: {  	_ =	swait.ge [sflag:s22], $0x4000  }
0xef: {  	[sflag:s22] =	ssyncset.done $0x0  }
0xf0: {  	[sflag:s22] =	ssyncadd.s32 $0xFFFFC000  }
0xf1: {  	[tilespmem:s21], [sflag:$0x3] =	stream.linear.gather [spmem:s10], $0x4000, $0x38;
	[tilespmem:$0x1E800] =	vst v63  }
0xf2: {  	s0 =	sadd.s32 $0x1, s0;
	_ =	swait.ge [sflag:s22], $0x4000  }
0xf3: {  	p0 =	sne.s32 s0, s16;
	[sflag:s22] =	ssyncset.done $0x0  }
.Ltmp2:
0xf4: {  	[sflag:s22] =	ssyncadd.s32 $0xFFFFC000;
	(pc) =	sbr.rel @p0 .LBB2_1-.Ltmp2, $4  }
0xf5: {  	[hbm4b:s15+s3] =	stream.linear.scatter [tilespmem:s21], [sflag:$0x3], $0x4000, $0x38;
	[tilespmem:$0x1E800] =	vst v63  }
0xf6: {  	_ =	swait.ge [sflag:s22], $0x4000  }
0xf7: {  	[sflag:s22] =	ssyncset.done $0x0  }
0xf8: {  	[sflag:s22] =	ssyncadd.s32 $0xFFFFC000  }
0xf9: {  	_ =	sfence.sel $0x180000  }
0xfa: {  	[bflag:$0x0] =	sbarrier.arrive $0xFFFF  }
0xfb: {  	_ =	strace $0x9000004D  }
0xfc: {  	s0 =	stileid.u32;
	[bflag:$0x2] =	sbarrier.arrive $0xFFFF  }
0xfd: {  	p0 =	sne.s32 s0, $0x0;
	s0 =	rddreg [dreg:$0x4]  }
0xfe: {  	s0 =	sadd.s32 @!p0 $0x100000, s0  }
0xff: {  	[sflag:s0] =	ssyncadd.tile.s32 @!p0 $0x1;
	_ =	shalt  }
.Lfunc_end2:
_tile_overlayer_lowered:
.L_overlay_start_2:
0x100: {  	(tag) =	ssettag $0x2  }
0x101: {  	s0 =	rddreg [dreg:$0x0];
	s2 =	stileid.u32  }
0x102: {  	s1 =	rddreg [dreg:$0x1];
	p0 =	sne.s32 s2, $0x0  }
0x103: {  	s3 =	rddreg [dreg:$0x2];
	[bflag:$0x3] =	sbarrier.arrive $0xFFFF;
	s2 =	simm.s32 @!p0 $0x1C03  }
0x104: {  	[timem:s3], [sflag:s2] =	dma.local @!p0 [hbm:s0], s1  }
0x105: {  	s0 =	simm.s32 @!p0 $0x3  }
0x106: {  	_ =	swait.ge @!p0 [sflag:s0], s1  }
0x107: {  	s1 =	ssub.s32 @!p0 $0x0, s1;
	[sflag:s0] =	ssyncset.done @!p0 $0x0  }
0x108: {  	[sflag:s0] =	ssyncadd.s32 @!p0 s1  }
0x109: {  	[bflag:$0x3] =	sbarrier.arrive $0xFFFF  }
0x10a: {  	_ =	shalt  }

// kernel: kernel.8.cloned.1.call-start
scs
__scs_entry_jumppad:
0x0: {  	(pc) =	sbr.rel $0x88, $3  }
0x1: {  	(tag) =	ssettag $0x0;
	lr =	simm.s32 $0x1  }
0x2: {  	[smem:$0x3F97] =	sst lr;
	_ =	strace $0xD0000000  }
0x3: {  	_ = 	snop  }
0x4: {  	_ = 	snop  }
0x5: {  	_ = 	snop  }
0x6: {  	_ = 	snop  }
0x7: {  	_ = 	snop  }
__scs_overlays_trampoline_lowered:
0x8: {  	[smem:$0x3FA6] =	sst s0  }
0x9: {  	[smem:$0x3FA7] =	sst s1  }
0xa: {  	[smem:$0x3FA8] =	sst s2  }
0xb: {  	[smem:$0x3FA9] =	sst s3  }
0xc: {  	[smem:$0x3FAA] =	sst s4  }
0xd: {  	[smem:$0x3FAB] =	sst s5  }
0xe: {  	[smem:$0x3FAC] =	sst s6  }
0xf: {  	[smem:$0x3FAD] =	sst s7  }
0x10: {  	[smem:$0x3FAE] =	sst s8  }
0x11: {  	[smem:$0x3FAF] =	sst s9;
	s0 =	simm.s32 @!p0 $0x0  }
0x12: {  	s1 =	sld [smem:$0x3F95];
	s0 =	simm.s32 @p0 $0x1  }
0x13: {  	[smem:$0x3FB0] =	sst s0;
	s0 =	simm.s32 @!p1 $0x0  }
0x14: {  	s2 =	sld [smem:$0x3F94];
	s0 =	simm.s32 @p1 $0x1  }
0x15: {  	[smem:$0x3FB1] =	sst s0;
	s0 =	simm.s32 @!p2 $0x0  }
0x16: {  	s3 =	sld [smem:$0x3FDB];
	s0 =	simm.s32 @p2 $0x1  }
0x17: {  	s4 =	simm.s32 $0x1BF5;
	[smem:$0x3FB3] =	sst s0  }
0x18: {  	s0 =	sld [smem:$0x3F96];
	_ =	swait.ge [sflag:s4], $0x0  }
0x19: {  	s7 =	sld [smem:$0x3F97]  }
0x1a: {  	s8 =	sadd.s32 $0xFFFFE003, lr  }
0x1b: {  	s9 =	sadd.s32 $0xFFFFFEF7, lr;
	s5 =	simm.s32 $0xFFFFFFFF;
	p2 =	slt.u32 s8, $0xFFFFF086  }
0x1c: {  	p1 =	slt.u32 s9, $0xF7A;
	s5 =	simm.s32 @!p2 $0x0  }
0x1d: {  	s5 =	simm.s32 @p1 $0x1;
	p0 =	seq.s32 s7, s2  }
0x1e: {  	s7 =	smul.u32 @!p0 $0xF7A, s2;
	p2 =	seq.s32 @!p0 s5, $0x0  }
0x1f: {  	s9 =	smul.u32 $0xF7A, s1;
	s8 =	simm.s32 @!p0 $0x1BF5;
	p2 =	por !p2, p0  }
0x20: {  	[sflag:s8] =	ssyncset.s32 @!p0 $0xFFFFF086;
	s6 =	sadd.s32 @!p0 s3, s7;
	s7 =	simm.s32 @!p0 $0x108  }
0x21: {  	s3 =	sadd.s32 s3, s9;
	s6 =	sadd.s32 @!p0 $0x88, s6;
	s7 =	simm.s32 @p2 $0x1082  }
0x22: {  	[simem:s7], [sflag:s8] =	dma.local @!p0 [hbm:s6], $0xF7A  }
0x23: {  	s9 =	sor.u32 $0xD0000000, s2;
	s6 =	simm.s32 $0x108;
	_ =	swait.ge @!p0 [sflag:s8], $0x0  }
0x24: {  	s3 =	sadd.s32 $0x88, s3;
	s6 =	simm.s32 @!p1 $0x1082;
	[sflag:s4] =	ssyncset.s32 $0xFFFFF086  }
0x25: {  	[simem:s6], [sflag:s4] =	dma.local [hbm:s3], $0xF7A  }
0x26: {  	[smem:$0x3F97] =	sst s1;
	(tag) =	ssettag s2;
	_ =	strace s9  }
0x27: {  	s1 =	sld [smem:$0x3FA7]  }
0x28: {  	s2 =	sld [smem:$0x3FA8]  }
0x29: {  	s4 =	sld [smem:$0x3FAA]  }
0x2a: {  	p0 =	seq.s32 s5, $0x0;
	s5 =	sld [smem:$0x3FAB]  }
0x2b: {  	s6 =	sld [smem:$0x3FAC]  }
0x2c: {  	s7 =	sld [smem:$0x3FAD]  }
0x2d: {  	s3 =	simm.s32 $0x108;
	s8 =	sld [smem:$0x3FAE]  }
0x2e: {  	s3 =	simm.s32 @!p0 $0x1082;
	s9 =	sld [smem:$0x3FAF]  }
0x2f: {  	lr =	sadd.s32 s0, s3;
	s0 =	sld [smem:$0x3FA6]  }
0x30: {  	s3 =	sld [smem:$0x3FA9]  }
0x31: {  	[smem:$0x3FB2] =	sst s10  }
0x32: {  	s10 =	sld [smem:$0x3FB0];
	_ =	sdelay $0x3  }
0x33: {  	p0 =	seq.s32 s10, $0x1;
	s10 =	sld [smem:$0x3FB2];
	_ =	sdelay $0x3  }
0x34: {  	[smem:$0x3FB2] =	sst s10  }
0x35: {  	s10 =	sld [smem:$0x3FB1];
	_ =	sdelay $0x3  }
0x36: {  	p1 =	seq.s32 s10, $0x1;
	s10 =	sld [smem:$0x3FB2];
	_ =	sdelay $0x3  }
0x37: {  	[smem:$0x3FB2] =	sst s10  }
0x38: {  	s10 =	sld [smem:$0x3FB3]  }
0x39: {  	_ = 	snop;
	(pc) =	sbr.ind lr, $3  }
0x3a: {  	_ = 	snop  }
0x3b: {  	_ = 	snop  }
0x3c: {  	p2 =	seq.s32 s10, $0x1;
	s10 =	sld [smem:$0x3FB2]  }
0x3d: {  	_ =	shalt  }
0x3e: {  	_ =	shalt  }
0x3f: {  	_ =	shalt  }
0x40: {  	_ =	shalt  }
0x41: {  	_ =	shalt  }
0x42: {  	_ =	shalt  }
0x43: {  	_ =	shalt  }
0x44: {  	_ =	shalt  }
0x45: {  	_ =	shalt  }
0x46: {  	_ =	shalt  }
0x47: {  	_ =	shalt  }
0x48: {  	_ =	shalt  }
0x49: {  	_ =	shalt  }
0x4a: {  	_ =	shalt  }
0x4b: {  	_ =	shalt  }
0x4c: {  	_ =	shalt  }
0x4d: {  	_ =	shalt  }
0x4e: {  	_ =	shalt  }
0x4f: {  	_ =	shalt  }
0x50: {  	_ =	shalt  }
0x51: {  	_ =	shalt  }
0x52: {  	_ =	shalt  }
0x53: {  	_ =	shalt  }
0x54: {  	_ =	shalt  }
0x55: {  	_ =	shalt  }
0x56: {  	_ =	shalt  }
0x57: {  	_ =	shalt  }
0x58: {  	_ =	shalt  }
0x59: {  	_ =	shalt  }
0x5a: {  	_ =	shalt  }
0x5b: {  	_ =	shalt  }
0x5c: {  	_ =	shalt  }
0x5d: {  	_ =	shalt  }
0x5e: {  	_ =	shalt  }
0x5f: {  	_ =	shalt  }
0x60: {  	_ =	shalt  }
0x61: {  	_ =	shalt  }
0x62: {  	_ =	shalt  }
0x63: {  	_ =	shalt  }
0x64: {  	_ =	shalt  }
0x65: {  	_ =	shalt  }
0x66: {  	_ =	shalt  }
0x67: {  	_ =	shalt  }
0x68: {  	_ =	shalt  }
0x69: {  	_ =	shalt  }
0x6a: {  	_ =	shalt  }
0x6b: {  	_ =	shalt  }
0x6c: {  	_ =	shalt  }
0x6d: {  	_ =	shalt  }
0x6e: {  	_ =	shalt  }
0x6f: {  	_ =	shalt  }
0x70: {  	_ =	shalt  }
0x71: {  	_ =	shalt  }
0x72: {  	_ =	shalt  }
0x73: {  	_ =	shalt  }
0x74: {  	_ =	shalt  }
0x75: {  	_ =	shalt  }
0x76: {  	_ =	shalt  }
0x77: {  	_ =	shalt  }
0x78: {  	_ =	shalt  }
0x79: {  	_ =	shalt  }
0x7a: {  	_ =	shalt  }
0x7b: {  	_ =	shalt  }
0x7c: {  	_ =	shalt  }
0x7d: {  	_ =	shalt  }
0x7e: {  	_ =	shalt  }
0x7f: {  	_ =	shalt  }
0x80: {  	_ =	shalt  }
0x81: {  	_ =	shalt  }
0x82: {  	_ =	shalt  }
0x83: {  	_ =	shalt  }
0x84: {  	_ =	shalt  }
0x85: {  	_ =	shalt  }
0x86: {  	_ =	shalt  }
0x87: {  	_ =	shalt  }
.Lfunc_end0:
.L_simem_size_0:
called_computation_lowered:
.L_overlay_start_0:
0x88: {  	s2 =	sld [smem:$0x3FD9]  }
0x89: {  	s3 =	sld [smem:$0x3FFE];
	_ =	sdelay $0x1  }
0x8a: {  	s1 =	srdreg.scid  }
0x8b: {  	s0 =	sand.u32 $0x1, s1  }
0x8c: {  	s14 =	sshll.u32 s0, $0xA;
	s2 =	sadd.s32 s3, s2  }
0x8d: {  	s2 =	sadd.s32 s2, s14  }
0x8e: {  	[smem:$0x3FBE] =	sst s2  }
0x8f: {  	_ = 	snop  }
0x90: {  	s2 =	sld [smem:$0x3FD0];
	_ =	sdelay $0x2  }
0x91: {  	s15 =	simm.s32 $0xA;
	s4 =	simm.s32 $0x10  }
0x92: {  	[smem:s4], [sflag:s15] =	dma.local [hbm:s2], $0x1  }
0x93: {  	_ =	swait.eq [sflag:s15], $0x1  }
0x94: {  	[sflag:s15] =	ssyncset.done $0x0  }
0x95: {  	[sflag:s15] =	ssyncadd.s32 $0xFFFFFFFF  }
0x96: {  	s16 =	sld [smem:$0x11];
	(tm) =	ssettm $0x1  }
0x97: {  	s17 =	sld [smem:$0x3FFB];
	_ =	sdelay $0x3  }
0x98: {  	_ =	strace s17  }
0x99: {  	s3 =	sld [smem:$0x3FFC];
	_ =	sdelay $0x3  }
0x9a: {  	_ =	strace s3  }
0x9b: {  	s3 =	sld [smem:$0x3FFD];
	_ =	sdelay $0x3  }
0x9c: {  	_ =	strace s3  }
0x9d: {  	_ =	strace $0x8FFFFFFF  }
0x9e: {  	s18 =	sld [smem:$0x3FDB];
	_ =	sdelay $0x1  }
0x9f: {  	s19 =	simm.s32 $_scs_section_size  }
0xa0: {  	s5 =	simm.s32 $_size__tile_overlayer_lowered;
	s6 =	simm.s32 $_tile_overlayer_lowered  }
0xa1: {  	s22 =	simm.s32 $0x1BFF;
	s21 =	sshll.u32 s6, $0x1;
	s3 =	sadd.s32 s19, s18  }
0xa2: {  	s7 =	simm.s32 $0x0;
	s20 =	sshll.u32 s5, $0x1;
	s5 =	sadd.s32 s21, s3  }
0xa3: {  	[timem:s7], [sflag:s22] =	dma.local [hbm:s5], s20  }
0xa4: {  	_ =	swait.ge [sflag:s22], s20  }
0xa5: {  	s4 =	ssub.s32 $0x0, s20;
	[sflag:s22] =	ssyncset.done $0x0  }
0xa6: {  	[sflag:s22] =	ssyncadd.s32 s4;
	_ =	sdelay $0x1  }
0xa7: {  	s23 =	simm.s32 $0x1B8B  }
0xa8: {  	_ =	swait.ge [sflag:s23], $0x1  }
0xa9: {  	[sflag:s23] =	ssyncset.done $0x0  }
0xaa: {  	s25 =	simm.s32 $0x1B8E;
	s24 =	sld [smem:$0x3FFE];
	[sflag:s23] =	ssyncadd.s32 $0xFFFFFFFF  }
0xab: {  	s26 =	simm.s32 $execute0_lowered;
	[smem:$0x3FD2] =	sst s25  }
0xac: {  	s5 =	sshll.u32 s26, $0x1;
	_ =	strace $0x80000046;
	[dreg:$0x1] =	wrdreg $0xFFFFFFFF  }
0xad: {  	s28 =	simm.s32 $_size_execute0_lowered;
	s3 =	sadd.s32 s3, s5;
	[dreg:$0x0] =	wrdreg $0x0  }
0xae: {  	s5 =	sshll.u32 s28, $0x1;
	[dreg:$0x2] =	wrdreg s3  }
0xaf: {  	[dreg:$0x3] =	wrdreg s5  }
0xb0: {  	[dreg:$0x4] =	wrdreg $0xC0  }
0xb1: {  	_ =	task [dreg:s7], $0x5FFFF  }
0xb2: {  	[dreg:$0x1] =	wrdreg $0xFFFFFFFF  }
0xb3: {  	[dreg:$0x0] =	wrdreg $0x60  }
0xb4: {  	[dreg:$0x2] =	wrdreg s16  }
0xb5: {  	[dreg:$0x3] =	wrdreg s24  }
0xb6: {  	[dreg:$0x4] =	wrdreg $0x2B000  }
0xb7: {  	[dreg:$0x5] =	wrdreg $0x9  }
0xb8: {  	_ =	task.clear_ibuf [dreg:s7], $0x6FFFF;
	_ =	strace $0x90000046  }
0xb9: {  	s29 =	simm.s32 $0x9;
	_ =	strace $0x80000048  }
0xba: {  	_ =	swait.ge [sflag:s29], $0x1  }
0xbb: {  	[sflag:s29] =	ssyncadd.s32 $0xFFFFFFFF  }
0xbc: {  	_ =	strace $0x90000048  }
0xbd: {  	_ =	sfence  }
0xbe: {  	s30 =	sld [smem:$0x0];
	_ =	sdelay $0x2  }
0xbf: {  	s31 =	sshll.u32 s1, $0xD;
	s1 =	sshrl.u32 s1, $0x2  }
0xc0: {  	s3 =	sand.u32 $0x4000, s31;
	s1 =	sadd.s32 s1, s30  }
0xc1: {  	s0 =	sor.u32 s3, s0;
	s1 =	sshll.u32 s1, $0x11  }
0xc2: {  	s0 =	sor.u32 s1, s0  }
0xc3: {  	s0 =	sadd.s32 $0x8F2B, s0  }
0xc4: {  	[sflag:s0] =	ssyncadd.remote.s32 $0x1  }
0xc5: {  	_ =	sfence.sel $0xFFFF  }
0xc6: {  	[dreg:$0x0] =	wrdreg $0xFFFFFFFF;
	(pc) =	sbr.abs _section_cstart, $3  }
0xc7: {  	[dreg:$0x1] =	wrdreg $0xFFFFFFFF  }
0xc8: {  	_ =	task.clear_ibuf [dreg:s7], $0x2FFFF;
	_ =	strace $0x9FFFFFFF  }
0xc9: {  	(tm) =	ssettm $0x7FFFFFFF  }
tec
execute0_lowered:
.L_overlay_start_1:
0x0: {  	(tag) =	ssettag $0x1  }
0x1: {  	s7 =	rddreg [dreg:$0x0]  }
0x2: {  	s6 =	rddreg [dreg:$0x1]  }
0x3: {  	s1 =	rddreg [dreg:$0x2]  }
0x4: {  	s0 =	rddreg [dreg:$0x3];
	s3 =	simm.s32 $0x0  }
0x5: {  	s4 =	srdreg.scid;
	s2 =	stileid.u32;
	s13 =	simm.s32 $0x80  }
0x6: {  	s14 =	simm.s32 $0x100;
	s15 =	simm.s32 $0x0;
	[smem:$0x7FF] =	sst s3  }
0x7: {  	s8 =	sand.u32 $0x1, s4;
	s9 =	smul.u32 $0x500, s2;
	s4 =	sadd.s32 $0x2E00, s6  }
0x8: {  	s5 =	sadd.s32 $0x3000, s6;
	s31 =	smul.u32 $0xA00, s2;
	_ =	strace $0x80000047  }
0x9: {  	s10 =	sshll.u32 s8, $0x7;
	s11 =	sshll.u32 s8, $0x4;
	s8 =	ssub.s32 $0x2, s8  }
0xa: {  	s9 =	sor.u32 s10, s9;
	s11 =	sor.u32 s2, s11;
	s12 =	sshrl.u32 s8, $0x1  }
0xb: {  	s10 =	sshrl.u32 s31, $0x2;
	s9 =	sshrl.u32 s9, $0x3;
	s11 =	smul.u32 $0x500, s11  }
0xc: {  	s12 =	ssub.s32 s8, s12;
	s9 =	sadd.s32 s9, s6;
	s6 =	sadd.s32 s10, s1  }
0xd: {  	s10 =	simm.s32 $0x2800;
	s7 =	sadd.s32 s7, s11;
	s8 =	sadd.s32 $0x3200, s9  }
0xe: {  	s9 =	smax.u32 s12, $0x1;
	s11 =	simm.s32 $0x1;
	s12 =	simm.s32 $0x2880  }
.LBB2_1:
0xf: {  	[tilespmem:s10], [sflag:$0x1] =	stream.linear.gather [hbm4b:s4+s3], $0x80, $0x38;
	[tilespmem:$0x2D80] =	vst v63  }
0x10: {  	_ =	swait.ge [sflag:s11], $0x80  }
0x11: {  	[sflag:s11] =	ssyncset.done $0x0  }
0x12: {  	[sflag:s11] =	ssyncadd.s32 $0xFFFFFF80  }
0x13: {  	[tilespmem:s12], [sflag:$0x1] =	stream.linear.gather [hbm4b:s5+s3], $0x280, $0x38;
	[tilespmem:$0x2D80] =	vst v63  }
0x14: {  	_ =	swait.ge [sflag:s11], $0x280  }
0x15: {  	[sflag:s11] =	ssyncset.done $0x0  }
0x16: {  	[sflag:s11] =	ssyncadd.s32 $0xFFFFFD80  }
0x17: {  	[spmem:s6] =	stream.linear.scatter [tilespmem:s12], [sflag:$0x1], $0x280, $0x38;
	[tilespmem:$0x2D80] =	vst v63  }
0x18: {  	_ =	swait.ge [sflag:s11], $0x280  }
0x19: {  	[sflag:s11] =	ssyncset.done $0x0  }
0x1a: {  	[sflag:s11] =	ssyncadd.s32 $0xFFFFFD80  }
0x1b: {  	[tilespmem:s3], [sflag:$0x1] =	stream.linear.gather [hbm4b:s7+s3], $0x2800, $0x38;
	[tilespmem:$0x2D80] =	vst v63  }
0x1c: {  	_ =	swait.ge [sflag:s11], $0x2800  }
0x1d: {  	[sflag:s11] =	ssyncset.done $0x0  }
0x1e: {  	[sflag:s11] =	ssyncadd.s32 $0xFFFFD800  }
0x1f: {  	s16 =	simm.s32 $0x0;
	[bflag:$0x0] =	sbarrier.arrive $0xFFFF  }
0x20: {  	[spmem:s1] =	stream.indirect.scatter.add.f32 [tilespmem:s10], [sflag:$0x1], $0x1, s16, s13, $0xb8;
	[tilespmem:$0x2D80] =	vst v63  }
0x21: {  	_ =	swait.ge [sflag:s11], $0x80  }
0x22: {  	s16 =	simm.s32 $0x200;
	[sflag:s11] =	ssyncset.done $0x0  }
.LBB2_2:
0x23: {  	s17 =	sshra.s32 s16, $0x2;
	[sflag:s11] =	ssyncadd.s32 $0xFFFFFF80;
	p0 =	sne.s32 s16, $0x9E00  }
0x24: {  	[spmem:s1] =	stream.indirect.scatter.add.f32 [tilespmem:s10], [sflag:$0x1], $0x1, s17, s13, $0xb8;
	[tilespmem:$0x2D80] =	vst v63  }
.Ltmp0:
0x25: {  	_ = 	snop;
	(pc) =	sbr.rel @p0 .LBB2_2-.Ltmp0, $4  }
0x26: {  	_ = 	snop  }
0x27: {  	s16 =	sadd.s32 $0x200, s16  }
0x28: {  	_ =	swait.ge [sflag:s11], $0x80  }
0x29: {  	[sflag:s11] =	ssyncset.done $0x0  }
0x2a: {  	[sflag:s11] =	ssyncadd.s32 $0xFFFFFF80  }
0x2b: {  	[bflag:$0x0] =	sbarrier.arrive $0xFFFF  }
0x2c: {  	[tilespmem:s12], [sflag:$0x1] =	stream.linear.gather [spmem:s6], $0x280, $0x38;
	[tilespmem:$0x2D80] =	vst v63  }
0x2d: {  	s15 =	sadd.s32 $0x1, s15;
	_ =	swait.ge [sflag:s11], $0x280  }
0x2e: {  	p0 =	sne.s32 s15, s9;
	[sflag:s11] =	ssyncset.done $0x0  }
.Ltmp1:
0x2f: {  	[sflag:s11] =	ssyncadd.s32 $0xFFFFFD80;
	(pc) =	sbr.rel @p0 .LBB2_1-.Ltmp1, $4  }
0x30: {  	[hbm4b:s8+s13] =	stream.strided.scatter [tilespmem:s12], [sflag:$0x1], $0x280, s14, s13, $0x38;
	[tilespmem:$0x2D80] =	vst v63  }
0x31: {  	_ =	swait.ge [sflag:s11], $0x280  }
0x32: {  	[sflag:s11] =	ssyncset.done $0x0  }
0x33: {  	[sflag:s11] =	ssyncadd.s32 $0xFFFFFD80  }
0x34: {  	_ =	sfence.sel $0x180000  }
0x35: {  	[bflag:$0x0] =	sbarrier.arrive $0xFFFF  }
0x36: {  	p0 =	sne.s32 s2, $0x0;
	_ =	strace $0x90000047  }
0x37: {  	s0 =	sadd.s32 @!p0 $0x100000, s0;
	[bflag:$0x2] =	sbarrier.arrive $0xFFFF  }
0x38: {  	[sflag:s0] =	ssyncadd.tile.s32 @!p0 $0x1;
	_ =	shalt  }
.Lfunc_end2:
_tile_overlayer_lowered:
.L_overlay_start_2:
0x39: {  	(tag) =	ssettag $0x2  }
0x3a: {  	s0 =	rddreg [dreg:$0x0];
	s2 =	stileid.u32  }
0x3b: {  	s1 =	rddreg [dreg:$0x1];
	p0 =	sne.s32 s2, $0x0  }
0x3c: {  	s3 =	rddreg [dreg:$0x2];
	[bflag:$0x3] =	sbarrier.arrive $0xFFFF;
	s2 =	simm.s32 @!p0 $0x1C01  }
0x3d: {  	[timem:s3], [sflag:s2] =	dma.local @!p0 [hbm:s0], s1  }
0x3e: {  	s0 =	simm.s32 @!p0 $0x1  }
0x3f: {  	_ =	swait.ge @!p0 [sflag:s0], s1  }
0x40: {  	s1 =	ssub.s32 @!p0 $0x0, s1;
	[sflag:s0] =	ssyncset.done @!p0 $0x0  }
0x41: {  	[sflag:s0] =	ssyncadd.s32 @!p0 s1  }
0x42: {  	[bflag:$0x3] =	sbarrier.arrive $0xFFFF  }
0x43: {  	_ =	shalt  }

</sc_bundles>
